<compile_context>
chip_gen: v7x
topology: tpu7x:2x2x1
jax: 0.10.2.dev20260603
libtpu: 0.0.44.dev20260713+nightly
codegen_flags: <defaults>
</compile_context>

<pallas_src>
import functools

import jax
import jax.numpy as jnp
from jax import lax
from jax.experimental import pallas as pl
from jax.experimental.pallas import tpu as pltpu
from jax.experimental.pallas import tpu_sc as plsc

NUM_CORES = 2
NUM_SUBCORES = 16
NUM_WORKERS = NUM_CORES * NUM_SUBCORES
CHUNK = 16
NBUF = 3


def _make_gather(d_model: int, total: int):
    b_per_w = total // NUM_WORKERS
    n_chunks = b_per_w // CHUNK
    n_full = n_chunks // NBUF - 1
    tail = n_chunks - NBUF * (n_full + 1)
    mesh = plsc.VectorSubcoreMesh(
        core_axis_name="c", subcore_axis_name="s", num_cores=NUM_CORES
    )

    @functools.partial(
        pl.kernel,
        out_type=jax.ShapeDtypeStruct((total, d_model), jnp.float32),
        mesh=mesh,
        scratch_types=[
            pltpu.VMEM((b_per_w,), jnp.int32),
            [pltpu.VMEM((CHUNK, d_model), jnp.float32) for _ in range(NBUF)],
            pltpu.VMEM_SHARED((NUM_SUBCORES, NBUF, CHUNK, d_model), jnp.float32),
            [pltpu.SemaphoreType.DMA for _ in range(NBUF)],
            [pltpu.SemaphoreType.DMA for _ in range(NBUF)],
            [pltpu.SemaphoreType.DMA for _ in range(NBUF)],
        ],
    )
    def sc_gather(table_hbm, idx_hbm, out_hbm, idx_v, bufs, shared,
                  gsems, csems, osems):
        wid = lax.axis_index("s") * NUM_CORES + lax.axis_index("c")
        sid = lax.axis_index("s")
        base = wid * b_per_w
        pltpu.sync_copy(idx_hbm.at[pl.ds(base, b_per_w)], idx_v)

        def start_gather(chunk_off, k):
            idx_slice = idx_v.at[pl.ds(chunk_off, CHUNK)]
            pltpu.async_copy(table_hbm.at[idx_slice], bufs[k], gsems[k])

        def wait_gather(k):
            idx_slice = idx_v.at[pl.ds(0, CHUNK)]
            pltpu.make_async_copy(table_hbm.at[idx_slice], bufs[k], gsems[k]).wait()

        def start_copy(k):
            pltpu.async_copy(bufs[k], shared.at[sid, k], csems[k])

        def wait_copy(k):
            pltpu.make_async_copy(bufs[k], shared.at[sid, k], csems[k]).wait()

        def start_out(chunk_off, k):
            pltpu.async_copy(shared.at[sid, k],
                             out_hbm.at[pl.ds(base + chunk_off, CHUNK)], osems[k])

        def wait_out(k):
            pltpu.make_async_copy(shared.at[sid, k],
                                  out_hbm.at[pl.ds(base, CHUNK)], osems[k]).wait()

        for k in range(NBUF):
            start_gather(k * CHUNK, k)
        for k in range(NBUF):
            wait_gather(k)
            start_copy(k)
            wait_copy(k)
            start_out(k * CHUNK, k)
            start_gather((k + NBUF) * CHUNK, k)

        def body(p, carry):
            off = pl.multiple_of((p + 1) * (NBUF * CHUNK), NBUF * CHUNK)
            for k in range(NBUF):
                wait_gather(k)
                wait_out(k)
                start_copy(k)
                wait_copy(k)
                start_out(off + k * CHUNK, k)
                start_gather(off + (k + NBUF) * CHUNK, k)
            return carry

        lax.fori_loop(0, n_full - 1, body, 0)

        off = n_full * (NBUF * CHUNK)
        for k in range(NBUF):
            wait_gather(k)
            wait_out(k)
            start_copy(k)
            wait_copy(k)
            start_out(off + k * CHUNK, k)
            t = k
            if t < tail:
                start_gather(off + (k + NBUF) * CHUNK, k)
        off2 = (n_full + 1) * (NBUF * CHUNK)
        for t in range(tail):
            k = t
            wait_gather(k)
            wait_out(k)
            start_copy(k)
            wait_copy(k)
            start_out(off2 + t * CHUNK, k)
        for k in range(NBUF):
            wait_out(k)

    return sc_gather


def kernel(positions, pe):
    b, s = positions.shape
    n_rows, d_model = pe.shape
    idx = positions.reshape(b * s)
    out = _make_gather(d_model, b * s)(pe, idx)
    return out.reshape(b, s, d_model)

# --- scband reference (transcript-rebuilt; emitter-appended) ---
"""Pipeline reference for scband-sinusoidal-pos-emb1-d-16389595201696 (READ-ONLY COPY).

The authoritative reference and input builder live on the scoring server;
editing this copy changes nothing except your own understanding.
"""

import jax, jax.numpy as jnp
import numpy as np

D_MODEL = 1024
MAX_LEN = 8192
BATCH = 4
SEQ_LEN = 8192


def _build_pe(max_len, d_model):
    position = np.arange(0, max_len, dtype=np.float32)[:, None]
    div_term = np.exp(np.arange(0, d_model, 2, dtype=np.float32) * (-np.log(10000.0) / d_model))
    pe = np.zeros((max_len, d_model), dtype=np.float32)
    pe[:, 0::2] = np.sin(position * div_term)
    pe[:, 1::2] = np.cos(position * div_term)
    return jnp.asarray(pe)


def setup_inputs(seed: int = 0) -> dict:
    key = jax.random.key(seed)
    positions = jax.random.randint(key, (BATCH, SEQ_LEN), 0, MAX_LEN, dtype=jnp.int32)
    pe = _build_pe(MAX_LEN, D_MODEL)
    return {"positions": positions, "pe": pe}


def reference(positions, pe):
    # Equivalent of self.pe[positions] -> gather rows of the sinusoidal table
    return jnp.take(pe, positions, axis=0)

if __name__ == "__main__":
    import jax
    _d = setup_inputs()
    print(jax.jit(kernel)(*tuple(_d.values())))

</pallas_src>

<mosaic_0001>
#map = affine_map<(d0, d1) -> (0, 0)>
#map1 = affine_map<(d0, d1) -> (0)>
module attributes {stable_mosaic.version = 14 : i64} {
  func.func @sc_gather(%arg0: i32, %arg1: i32, %arg2: memref<8192x1024xf32, #tpu.memory_space<hbm>>, %arg3: memref<32768xi32, #tpu.memory_space<hbm>>, %arg4: memref<32768x1024xf32, #tpu.memory_space<hbm>>, %arg5: memref<1024xi32, #tpu.memory_space<vmem>>, %arg6: memref<16x1024xf32, #tpu.memory_space<vmem>>, %arg7: memref<16x1024xf32, #tpu.memory_space<vmem>>, %arg8: memref<16x1024xf32, #tpu.memory_space<vmem>>, %arg9: memref<16x3x16x1024xf32, #tpu.memory_space<vmem_shared>>, %arg10: memref<!tpu.dma_semaphore, #tpu.memory_space<semaphore_mem>>, %arg11: memref<!tpu.dma_semaphore, #tpu.memory_space<semaphore_mem>>, %arg12: memref<!tpu.dma_semaphore, #tpu.memory_space<semaphore_mem>>, %arg13: memref<!tpu.dma_semaphore, #tpu.memory_space<semaphore_mem>>, %arg14: memref<!tpu.dma_semaphore, #tpu.memory_space<semaphore_mem>>, %arg15: memref<!tpu.dma_semaphore, #tpu.memory_space<semaphore_mem>>, %arg16: memref<!tpu.dma_semaphore, #tpu.memory_space<semaphore_mem>>, %arg17: memref<!tpu.dma_semaphore, #tpu.memory_space<semaphore_mem>>, %arg18: memref<!tpu.dma_semaphore, #tpu.memory_space<semaphore_mem>>) attributes {dimension_semantics = [#tpu.dimension_semantics<core_parallel>, #tpu.dimension_semantics<subcore_parallel>], iteration_bounds = array<i64: 2, 16>, scalar_prefetch = 0 : i64, scratch_operands = 14 : i64, tpu.core_type = #tpu.core_type<sc_vector_subcore>, window_params = [{transform_indices = #map}, {transform_indices = #map1}, {transform_indices = #map}]} {
    %mul3A = arith.constant 2 : i32
    %mul3A_0 = arith.muli %arg1, %mul3A : i32
    %add3A = arith.addi %mul3A_0, %arg0 : i32
    %mul3A_1 = arith.constant 1024 : i32
    %mul3A_2 = arith.muli %add3A, %mul3A_1 : i32
    "tpu.region"() ({
      %run_scoped3A = tpu.sem_alloc : memref<!tpu.dma_semaphore, #tpu.memory_space<semaphore_mem>>
      %dma_start3A_314 = tpu.memref_slice %arg3[%mul3A_2] : memref<32768xi32, #tpu.memory_space<hbm>> -> memref<1024xi32, #tpu.memory_space<hbm>>
      %dma_start3A_315 = tpu.memref_slice %arg3[%mul3A_2] : memref<32768xi32, #tpu.memory_space<hbm>> -> memref<1024xi32, #tpu.memory_space<hbm>>
      tpu.enqueue_dma source(%dma_start3A_315 : memref<1024xi32, #tpu.memory_space<hbm>>) target(%arg5 : memref<1024xi32, #tpu.memory_space<vmem>>) target_semaphore(%run_scoped3A : memref<!tpu.dma_semaphore, #tpu.memory_space<semaphore_mem>>)
      %dma_wait3A_316 = tpu.memref_slice %arg3[%mul3A_2] : memref<32768xi32, #tpu.memory_space<hbm>> -> memref<1024xi32, #tpu.memory_space<hbm>>
      %dma_wait3A_317 = tpu.memref_slice %arg3[%mul3A_2] : memref<32768xi32, #tpu.memory_space<hbm>> -> memref<1024xi32, #tpu.memory_space<hbm>>
      tpu.wait_dma2 semaphore(%run_scoped3A : memref<!tpu.dma_semaphore, #tpu.memory_space<semaphore_mem>>) src(%dma_wait3A_317 : memref<1024xi32, #tpu.memory_space<hbm>>) dst(%arg5 : memref<1024xi32, #tpu.memory_space<vmem>>)
      tpu.yield
    }) : () -> ()
    %dma_start3A = arith.constant 0 : i32
    %dma_start3A_3 = tpu.memref_slice %arg5[%dma_start3A] : memref<1024xi32, #tpu.memory_space<vmem>> -> memref<16xi32, #tpu.memory_space<vmem>>
    %dma_start3A_4 = arith.constant 0 : i32
    %dma_start3A_5 = arith.constant 0 : i32
    %dma_start3A_6 = tpu.memref_slice %arg2[%dma_start3A_4, %dma_start3A_5] : memref<8192x1024xf32, #tpu.memory_space<hbm>> -> memref<8192x1024xf32, #tpu.memory_space<hbm>>
    tpu.enqueue_indirect_dma source(%dma_start3A_6 : memref<8192x1024xf32, #tpu.memory_space<hbm>>) target(%arg6 : memref<16x1024xf32, #tpu.memory_space<vmem>>) offsets(%dma_start3A_3 : memref<16xi32, #tpu.memory_space<vmem>>) semaphore(%arg10 : memref<!tpu.dma_semaphore, #tpu.memory_space<semaphore_mem>>)
    %dma_start3A_7 = arith.constant 16 : i32
    %dma_start3A_8 = tpu.memref_slice %arg5[%dma_start3A_7] : memref<1024xi32, #tpu.memory_space<vmem>> -> memref<16xi32, #tpu.memory_space<vmem>>
    %dma_start3A_9 = arith.constant 0 : i32
    %dma_start3A_10 = arith.constant 0 : i32
    %dma_start3A_11 = tpu.memref_slice %arg2[%dma_start3A_9, %dma_start3A_10] : memref<8192x1024xf32, #tpu.memory_space<hbm>> -> memref<8192x1024xf32, #tpu.memory_space<hbm>>
    tpu.enqueue_indirect_dma source(%dma_start3A_11 : memref<8192x1024xf32, #tpu.memory_space<hbm>>) target(%arg7 : memref<16x1024xf32, #tpu.memory_space<vmem>>) offsets(%dma_start3A_8 : memref<16xi32, #tpu.memory_space<vmem>>) semaphore(%arg11 : memref<!tpu.dma_semaphore, #tpu.memory_space<semaphore_mem>>)
    %dma_start3A_12 = arith.constant 32 : i32
    %dma_start3A_13 = tpu.memref_slice %arg5[%dma_start3A_12] : memref<1024xi32, #tpu.memory_space<vmem>> -> memref<16xi32, #tpu.memory_space<vmem>>
    %dma_start3A_14 = arith.constant 0 : i32
    %dma_start3A_15 = arith.constant 0 : i32
    %dma_start3A_16 = tpu.memref_slice %arg2[%dma_start3A_14, %dma_start3A_15] : memref<8192x1024xf32, #tpu.memory_space<hbm>> -> memref<8192x1024xf32, #tpu.memory_space<hbm>>
    tpu.enqueue_indirect_dma source(%dma_start3A_16 : memref<8192x1024xf32, #tpu.memory_space<hbm>>) target(%arg8 : memref<16x1024xf32, #tpu.memory_space<vmem>>) offsets(%dma_start3A_13 : memref<16xi32, #tpu.memory_space<vmem>>) semaphore(%arg12 : memref<!tpu.dma_semaphore, #tpu.memory_space<semaphore_mem>>)
    %dma_wait3A = arith.constant 0 : i32
    %dma_wait3A_17 = tpu.memref_slice %arg5[%dma_wait3A] : memref<1024xi32, #tpu.memory_space<vmem>> -> memref<16xi32, #tpu.memory_space<vmem>>
    %dma_wait3A_18 = arith.constant 0 : i32
    %dma_wait3A_19 = arith.constant 0 : i32
    %dma_wait3A_20 = tpu.memref_slice %arg2[%dma_wait3A_18, %dma_wait3A_19] : memref<8192x1024xf32, #tpu.memory_space<hbm>> -> memref<8192x1024xf32, #tpu.memory_space<hbm>>
    tpu.wait_indirect_dma semaphore(%arg10 : memref<!tpu.dma_semaphore, #tpu.memory_space<semaphore_mem>>) src(%dma_wait3A_20 : memref<8192x1024xf32, #tpu.memory_space<hbm>>) dst(%arg6 : memref<16x1024xf32, #tpu.memory_space<vmem>>)
    %dma_start3A_21 = arith.constant 0 : i32
    %dma_start3A_22 = arith.constant 0 : i32
    %dma_start3A_23 = arith.constant 0 : i32
    %dma_start3A_24 = tpu.memref_slice %arg9[%arg1, %dma_start3A_21, %dma_start3A_22, %dma_start3A_23] : memref<16x3x16x1024xf32, #tpu.memory_space<vmem_shared>> -> memref<1x1x16x1024xf32, #tpu.memory_space<vmem_shared>>
    %dma_start3A_25 = tpu.memref_squeeze %dma_start3A_24 : memref<1x1x16x1024xf32, #tpu.memory_space<vmem_shared>> -> memref<16x1024xf32, #tpu.memory_space<vmem_shared>>
    %dma_start3A_26 = arith.constant 0 : i32
    %dma_start3A_27 = arith.constant 0 : i32
    %dma_start3A_28 = tpu.memref_slice %arg9[%arg1, %dma_start3A_21, %dma_start3A_26, %dma_start3A_27] : memref<16x3x16x1024xf32, #tpu.memory_space<vmem_shared>> -> memref<1x1x16x1024xf32, #tpu.memory_space<vmem_shared>>
    %dma_start3A_29 = tpu.memref_squeeze %dma_start3A_28 : memref<1x1x16x1024xf32, #tpu.memory_space<vmem_shared>> -> memref<16x1024xf32, #tpu.memory_space<vmem_shared>>
    tpu.enqueue_dma source(%arg6 : memref<16x1024xf32, #tpu.memory_space<vmem>>) target(%dma_start3A_29 : memref<16x1024xf32, #tpu.memory_space<vmem_shared>>) target_semaphore(%arg13 : memref<!tpu.dma_semaphore, #tpu.memory_space<semaphore_mem>>)
    %dma_wait3A_30 = arith.constant 0 : i32
    %dma_wait3A_31 = arith.constant 0 : i32
    %dma_wait3A_32 = arith.constant 0 : i32
    %dma_wait3A_33 = tpu.memref_slice %arg9[%arg1, %dma_wait3A_30, %dma_wait3A_31, %dma_wait3A_32] : memref<16x3x16x1024xf32, #tpu.memory_space<vmem_shared>> -> memref<1x1x16x1024xf32, #tpu.memory_space<vmem_shared>>
    %dma_wait3A_34 = tpu.memref_squeeze %dma_wait3A_33 : memref<1x1x16x1024xf32, #tpu.memory_space<vmem_shared>> -> memref<16x1024xf32, #tpu.memory_space<vmem_shared>>
    %dma_wait3A_35 = arith.constant 0 : i32
    %dma_wait3A_36 = arith.constant 0 : i32
    %dma_wait3A_37 = tpu.memref_slice %arg9[%arg1, %dma_wait3A_30, %dma_wait3A_35, %dma_wait3A_36] : memref<16x3x16x1024xf32, #tpu.memory_space<vmem_shared>> -> memref<1x1x16x1024xf32, #tpu.memory_space<vmem_shared>>
    %dma_wait3A_38 = tpu.memref_squeeze %dma_wait3A_37 : memref<1x1x16x1024xf32, #tpu.memory_space<vmem_shared>> -> memref<16x1024xf32, #tpu.memory_space<vmem_shared>>
    tpu.wait_dma2 semaphore(%arg13 : memref<!tpu.dma_semaphore, #tpu.memory_space<semaphore_mem>>) src(%arg6 : memref<16x1024xf32, #tpu.memory_space<vmem>>) dst(%dma_wait3A_38 : memref<16x1024xf32, #tpu.memory_space<vmem_shared>>)
    %add3A_39 = arith.constant 0 : i32
    %add3A_40 = arith.addi %mul3A_2, %add3A_39 : i32
    %dma_start3A_41 = arith.constant 0 : i32
    %dma_start3A_42 = arith.constant 0 : i32
    %dma_start3A_43 = tpu.memref_slice %arg4[%add3A_40, %dma_start3A_42] : memref<32768x1024xf32, #tpu.memory_space<hbm>> -> memref<16x1024xf32, #tpu.memory_space<hbm>>
    %dma_start3A_44 = arith.constant 0 : i32
    %dma_start3A_45 = arith.constant 0 : i32
    %dma_start3A_46 = tpu.memref_slice %arg9[%arg1, %dma_start3A_41, %dma_start3A_44, %dma_start3A_45] : memref<16x3x16x1024xf32, #tpu.memory_space<vmem_shared>> -> memref<1x1x16x1024xf32, #tpu.memory_space<vmem_shared>>
    %dma_start3A_47 = tpu.memref_squeeze %dma_start3A_46 : memref<1x1x16x1024xf32, #tpu.memory_space<vmem_shared>> -> memref<16x1024xf32, #tpu.memory_space<vmem_shared>>
    tpu.enqueue_dma source(%dma_start3A_47 : memref<16x1024xf32, #tpu.memory_space<vmem_shared>>) target(%dma_start3A_43 : memref<16x1024xf32, #tpu.memory_space<hbm>>) target_semaphore(%arg16 : memref<!tpu.dma_semaphore, #tpu.memory_space<semaphore_mem>>)
    %dma_start3A_48 = arith.constant 48 : i32
    %dma_start3A_49 = tpu.memref_slice %arg5[%dma_start3A_48] : memref<1024xi32, #tpu.memory_space<vmem>> -> memref<16xi32, #tpu.memory_space<vmem>>
    %dma_start3A_50 = arith.constant 0 : i32
    %dma_start3A_51 = arith.constant 0 : i32
    %dma_start3A_52 = tpu.memref_slice %arg2[%dma_start3A_50, %dma_start3A_51] : memref<8192x1024xf32, #tpu.memory_space<hbm>> -> memref<8192x1024xf32, #tpu.memory_space<hbm>>
    tpu.enqueue_indirect_dma source(%dma_start3A_52 : memref<8192x1024xf32, #tpu.memory_space<hbm>>) target(%arg6 : memref<16x1024xf32, #tpu.memory_space<vmem>>) offsets(%dma_start3A_49 : memref<16xi32, #tpu.memory_space<vmem>>) semaphore(%arg10 : memref<!tpu.dma_semaphore, #tpu.memory_space<semaphore_mem>>)
    %dma_wait3A_53 = arith.constant 0 : i32
    %dma_wait3A_54 = tpu.memref_slice %arg5[%dma_wait3A_53] : memref<1024xi32, #tpu.memory_space<vmem>> -> memref<16xi32, #tpu.memory_space<vmem>>
    %dma_wait3A_55 = arith.constant 0 : i32
    %dma_wait3A_56 = arith.constant 0 : i32
    %dma_wait3A_57 = tpu.memref_slice %arg2[%dma_wait3A_55, %dma_wait3A_56] : memref<8192x1024xf32, #tpu.memory_space<hbm>> -> memref<8192x1024xf32, #tpu.memory_space<hbm>>
    tpu.wait_indirect_dma semaphore(%arg11 : memref<!tpu.dma_semaphore, #tpu.memory_space<semaphore_mem>>) src(%dma_wait3A_57 : memref<8192x1024xf32, #tpu.memory_space<hbm>>) dst(%arg7 : memref<16x1024xf32, #tpu.memory_space<vmem>>)
    %dma_start3A_58 = arith.constant 1 : i32
    %dma_start3A_59 = arith.constant 0 : i32
    %dma_start3A_60 = arith.constant 0 : i32
    %dma_start3A_61 = tpu.memref_slice %arg9[%arg1, %dma_start3A_58, %dma_start3A_59, %dma_start3A_60] : memref<16x3x16x1024xf32, #tpu.memory_space<vmem_shared>> -> memref<1x1x16x1024xf32, #tpu.memory_space<vmem_shared>>
    %dma_start3A_62 = tpu.memref_squeeze %dma_start3A_61 : memref<1x1x16x1024xf32, #tpu.memory_space<vmem_shared>> -> memref<16x1024xf32, #tpu.memory_space<vmem_shared>>
    %dma_start3A_63 = arith.constant 0 : i32
    %dma_start3A_64 = arith.constant 0 : i32
    %dma_start3A_65 = tpu.memref_slice %arg9[%arg1, %dma_start3A_58, %dma_start3A_63, %dma_start3A_64] : memref<16x3x16x1024xf32, #tpu.memory_space<vmem_shared>> -> memref<1x1x16x1024xf32, #tpu.memory_space<vmem_shared>>
    %dma_start3A_66 = tpu.memref_squeeze %dma_start3A_65 : memref<1x1x16x1024xf32, #tpu.memory_space<vmem_shared>> -> memref<16x1024xf32, #tpu.memory_space<vmem_shared>>
    tpu.enqueue_dma source(%arg7 : memref<16x1024xf32, #tpu.memory_space<vmem>>) target(%dma_start3A_66 : memref<16x1024xf32, #tpu.memory_space<vmem_shared>>) target_semaphore(%arg14 : memref<!tpu.dma_semaphore, #tpu.memory_space<semaphore_mem>>)
    %dma_wait3A_67 = arith.constant 1 : i32
    %dma_wait3A_68 = arith.constant 0 : i32
    %dma_wait3A_69 = arith.constant 0 : i32
    %dma_wait3A_70 = tpu.memref_slice %arg9[%arg1, %dma_wait3A_67, %dma_wait3A_68, %dma_wait3A_69] : memref<16x3x16x1024xf32, #tpu.memory_space<vmem_shared>> -> memref<1x1x16x1024xf32, #tpu.memory_space<vmem_shared>>
    %dma_wait3A_71 = tpu.memref_squeeze %dma_wait3A_70 : memref<1x1x16x1024xf32, #tpu.memory_space<vmem_shared>> -> memref<16x1024xf32, #tpu.memory_space<vmem_shared>>
    %dma_wait3A_72 = arith.constant 0 : i32
    %dma_wait3A_73 = arith.constant 0 : i32
    %dma_wait3A_74 = tpu.memref_slice %arg9[%arg1, %dma_wait3A_67, %dma_wait3A_72, %dma_wait3A_73] : memref<16x3x16x1024xf32, #tpu.memory_space<vmem_shared>> -> memref<1x1x16x1024xf32, #tpu.memory_space<vmem_shared>>
    %dma_wait3A_75 = tpu.memref_squeeze %dma_wait3A_74 : memref<1x1x16x1024xf32, #tpu.memory_space<vmem_shared>> -> memref<16x1024xf32, #tpu.memory_space<vmem_shared>>
    tpu.wait_dma2 semaphore(%arg14 : memref<!tpu.dma_semaphore, #tpu.memory_space<semaphore_mem>>) src(%arg7 : memref<16x1024xf32, #tpu.memory_space<vmem>>) dst(%dma_wait3A_75 : memref<16x1024xf32, #tpu.memory_space<vmem_shared>>)
    %add3A_76 = arith.constant 16 : i32
    %add3A_77 = arith.addi %mul3A_2, %add3A_76 : i32
    %dma_start3A_78 = arith.constant 1 : i32
    %dma_start3A_79 = arith.constant 0 : i32
    %dma_start3A_80 = tpu.memref_slice %arg4[%add3A_77, %dma_start3A_79] : memref<32768x1024xf32, #tpu.memory_space<hbm>> -> memref<16x1024xf32, #tpu.memory_space<hbm>>
    %dma_start3A_81 = arith.constant 0 : i32
    %dma_start3A_82 = arith.constant 0 : i32
    %dma_start3A_83 = tpu.memref_slice %arg9[%arg1, %dma_start3A_78, %dma_start3A_81, %dma_start3A_82] : memref<16x3x16x1024xf32, #tpu.memory_space<vmem_shared>> -> memref<1x1x16x1024xf32, #tpu.memory_space<vmem_shared>>
    %dma_start3A_84 = tpu.memref_squeeze %dma_start3A_83 : memref<1x1x16x1024xf32, #tpu.memory_space<vmem_shared>> -> memref<16x1024xf32, #tpu.memory_space<vmem_shared>>
    tpu.enqueue_dma source(%dma_start3A_84 : memref<16x1024xf32, #tpu.memory_space<vmem_shared>>) target(%dma_start3A_80 : memref<16x1024xf32, #tpu.memory_space<hbm>>) target_semaphore(%arg17 : memref<!tpu.dma_semaphore, #tpu.memory_space<semaphore_mem>>)
    %dma_start3A_85 = arith.constant 64 : i32
    %dma_start3A_86 = tpu.memref_slice %arg5[%dma_start3A_85] : memref<1024xi32, #tpu.memory_space<vmem>> -> memref<16xi32, #tpu.memory_space<vmem>>
    %dma_start3A_87 = arith.constant 0 : i32
    %dma_start3A_88 = arith.constant 0 : i32
    %dma_start3A_89 = tpu.memref_slice %arg2[%dma_start3A_87, %dma_start3A_88] : memref<8192x1024xf32, #tpu.memory_space<hbm>> -> memref<8192x1024xf32, #tpu.memory_space<hbm>>
    tpu.enqueue_indirect_dma source(%dma_start3A_89 : memref<8192x1024xf32, #tpu.memory_space<hbm>>) target(%arg7 : memref<16x1024xf32, #tpu.memory_space<vmem>>) offsets(%dma_start3A_86 : memref<16xi32, #tpu.memory_space<vmem>>) semaphore(%arg11 : memref<!tpu.dma_semaphore, #tpu.memory_space<semaphore_mem>>)
    %dma_wait3A_90 = arith.constant 0 : i32
    %dma_wait3A_91 = tpu.memref_slice %arg5[%dma_wait3A_90] : memref<1024xi32, #tpu.memory_space<vmem>> -> memref<16xi32, #tpu.memory_space<vmem>>
    %dma_wait3A_92 = arith.constant 0 : i32
    %dma_wait3A_93 = arith.constant 0 : i32
    %dma_wait3A_94 = tpu.memref_slice %arg2[%dma_wait3A_92, %dma_wait3A_93] : memref<8192x1024xf32, #tpu.memory_space<hbm>> -> memref<8192x1024xf32, #tpu.memory_space<hbm>>
    tpu.wait_indirect_dma semaphore(%arg12 : memref<!tpu.dma_semaphore, #tpu.memory_space<semaphore_mem>>) src(%dma_wait3A_94 : memref<8192x1024xf32, #tpu.memory_space<hbm>>) dst(%arg8 : memref<16x1024xf32, #tpu.memory_space<vmem>>)
    %dma_start3A_95 = arith.constant 2 : i32
    %dma_start3A_96 = arith.constant 0 : i32
    %dma_start3A_97 = arith.constant 0 : i32
    %dma_start3A_98 = tpu.memref_slice %arg9[%arg1, %dma_start3A_95, %dma_start3A_96, %dma_start3A_97] : memref<16x3x16x1024xf32, #tpu.memory_space<vmem_shared>> -> memref<1x1x16x1024xf32, #tpu.memory_space<vmem_shared>>
    %dma_start3A_99 = tpu.memref_squeeze %dma_start3A_98 : memref<1x1x16x1024xf32, #tpu.memory_space<vmem_shared>> -> memref<16x1024xf32, #tpu.memory_space<vmem_shared>>
    %dma_start3A_100 = arith.constant 0 : i32
    %dma_start3A_101 = arith.constant 0 : i32
    %dma_start3A_102 = tpu.memref_slice %arg9[%arg1, %dma_start3A_95, %dma_start3A_100, %dma_start3A_101] : memref<16x3x16x1024xf32, #tpu.memory_space<vmem_shared>> -> memref<1x1x16x1024xf32, #tpu.memory_space<vmem_shared>>
    %dma_start3A_103 = tpu.memref_squeeze %dma_start3A_102 : memref<1x1x16x1024xf32, #tpu.memory_space<vmem_shared>> -> memref<16x1024xf32, #tpu.memory_space<vmem_shared>>
    tpu.enqueue_dma source(%arg8 : memref<16x1024xf32, #tpu.memory_space<vmem>>) target(%dma_start3A_103 : memref<16x1024xf32, #tpu.memory_space<vmem_shared>>) target_semaphore(%arg15 : memref<!tpu.dma_semaphore, #tpu.memory_space<semaphore_mem>>)
    %dma_wait3A_104 = arith.constant 2 : i32
    %dma_wait3A_105 = arith.constant 0 : i32
    %dma_wait3A_106 = arith.constant 0 : i32
    %dma_wait3A_107 = tpu.memref_slice %arg9[%arg1, %dma_wait3A_104, %dma_wait3A_105, %dma_wait3A_106] : memref<16x3x16x1024xf32, #tpu.memory_space<vmem_shared>> -> memref<1x1x16x1024xf32, #tpu.memory_space<vmem_shared>>
    %dma_wait3A_108 = tpu.memref_squeeze %dma_wait3A_107 : memref<1x1x16x1024xf32, #tpu.memory_space<vmem_shared>> -> memref<16x1024xf32, #tpu.memory_space<vmem_shared>>
    %dma_wait3A_109 = arith.constant 0 : i32
    %dma_wait3A_110 = arith.constant 0 : i32
    %dma_wait3A_111 = tpu.memref_slice %arg9[%arg1, %dma_wait3A_104, %dma_wait3A_109, %dma_wait3A_110] : memref<16x3x16x1024xf32, #tpu.memory_space<vmem_shared>> -> memref<1x1x16x1024xf32, #tpu.memory_space<vmem_shared>>
    %dma_wait3A_112 = tpu.memref_squeeze %dma_wait3A_111 : memref<1x1x16x1024xf32, #tpu.memory_space<vmem_shared>> -> memref<16x1024xf32, #tpu.memory_space<vmem_shared>>
    tpu.wait_dma2 semaphore(%arg15 : memref<!tpu.dma_semaphore, #tpu.memory_space<semaphore_mem>>) src(%arg8 : memref<16x1024xf32, #tpu.memory_space<vmem>>) dst(%dma_wait3A_112 : memref<16x1024xf32, #tpu.memory_space<vmem_shared>>)
    %add3A_113 = arith.constant 32 : i32
    %add3A_114 = arith.addi %mul3A_2, %add3A_113 : i32
    %dma_start3A_115 = arith.constant 2 : i32
    %dma_start3A_116 = arith.constant 0 : i32
    %dma_start3A_117 = tpu.memref_slice %arg4[%add3A_114, %dma_start3A_116] : memref<32768x1024xf32, #tpu.memory_space<hbm>> -> memref<16x1024xf32, #tpu.memory_space<hbm>>
    %dma_start3A_118 = arith.constant 0 : i32
    %dma_start3A_119 = arith.constant 0 : i32
    %dma_start3A_120 = tpu.memref_slice %arg9[%arg1, %dma_start3A_115, %dma_start3A_118, %dma_start3A_119] : memref<16x3x16x1024xf32, #tpu.memory_space<vmem_shared>> -> memref<1x1x16x1024xf32, #tpu.memory_space<vmem_shared>>
    %dma_start3A_121 = tpu.memref_squeeze %dma_start3A_120 : memref<1x1x16x1024xf32, #tpu.memory_space<vmem_shared>> -> memref<16x1024xf32, #tpu.memory_space<vmem_shared>>
    tpu.enqueue_dma source(%dma_start3A_121 : memref<16x1024xf32, #tpu.memory_space<vmem_shared>>) target(%dma_start3A_117 : memref<16x1024xf32, #tpu.memory_space<hbm>>) target_semaphore(%arg18 : memref<!tpu.dma_semaphore, #tpu.memory_space<semaphore_mem>>)
    %dma_start3A_122 = arith.constant 80 : i32
    %dma_start3A_123 = tpu.memref_slice %arg5[%dma_start3A_122] : memref<1024xi32, #tpu.memory_space<vmem>> -> memref<16xi32, #tpu.memory_space<vmem>>
    %dma_start3A_124 = arith.constant 0 : i32
    %dma_start3A_125 = arith.constant 0 : i32
    %dma_start3A_126 = tpu.memref_slice %arg2[%dma_start3A_124, %dma_start3A_125] : memref<8192x1024xf32, #tpu.memory_space<hbm>> -> memref<8192x1024xf32, #tpu.memory_space<hbm>>
    tpu.enqueue_indirect_dma source(%dma_start3A_126 : memref<8192x1024xf32, #tpu.memory_space<hbm>>) target(%arg8 : memref<16x1024xf32, #tpu.memory_space<vmem>>) offsets(%dma_start3A_123 : memref<16xi32, #tpu.memory_space<vmem>>) semaphore(%arg12 : memref<!tpu.dma_semaphore, #tpu.memory_space<semaphore_mem>>)
    %scan3A = arith.constant 0 : i32
    %scan3A_127 = arith.constant 0 : i32
    %scan3A_128 = arith.constant 19 : i32
    %scan3A_129 = arith.addi %scan3A_127, %scan3A_128 : i32
    %scan3A_130 = arith.constant 1 : i32
    scf.for %scan3A_314 = %scan3A_127 to %scan3A_129 step %scan3A_130  : i32 {
      %add3A_315 = arith.constant 1 : i32
      %add3A_316 = arith.addi %scan3A_314, %add3A_315 : i32
      %mul3A_317 = arith.constant 48 : i32
      %mul3A_318 = arith.muli %add3A_316, %mul3A_317 : i32
      %multiple_of3A = tpu.assume_multiple %mul3A_318, 48 : i32
      %dma_wait3A_319 = arith.constant 0 : i32
      %dma_wait3A_320 = tpu.memref_slice %arg5[%dma_wait3A_319] : memref<1024xi32, #tpu.memory_space<vmem>> -> memref<16xi32, #tpu.memory_space<vmem>>
      %dma_wait3A_321 = arith.constant 0 : i32
      %dma_wait3A_322 = arith.constant 0 : i32
      %dma_wait3A_323 = tpu.memref_slice %arg2[%dma_wait3A_321, %dma_wait3A_322] : memref<8192x1024xf32, #tpu.memory_space<hbm>> -> memref<8192x1024xf32, #tpu.memory_space<hbm>>
      tpu.wait_indirect_dma semaphore(%arg10 : memref<!tpu.dma_semaphore, #tpu.memory_space<semaphore_mem>>) src(%dma_wait3A_323 : memref<8192x1024xf32, #tpu.memory_space<hbm>>) dst(%arg6 : memref<16x1024xf32, #tpu.memory_space<vmem>>)
      %dma_wait3A_324 = arith.constant 0 : i32
      %dma_wait3A_325 = arith.constant 0 : i32
      %dma_wait3A_326 = tpu.memref_slice %arg4[%mul3A_2, %dma_wait3A_325] : memref<32768x1024xf32, #tpu.memory_space<hbm>> -> memref<16x1024xf32, #tpu.memory_space<hbm>>
      %dma_wait3A_327 = arith.constant 0 : i32
      %dma_wait3A_328 = arith.constant 0 : i32
      %dma_wait3A_329 = tpu.memref_slice %arg9[%arg1, %dma_wait3A_324, %dma_wait3A_327, %dma_wait3A_328] : memref<16x3x16x1024xf32, #tpu.memory_space<vmem_shared>> -> memref<1x1x16x1024xf32, #tpu.memory_space<vmem_shared>>
      %dma_wait3A_330 = tpu.memref_squeeze %dma_wait3A_329 : memref<1x1x16x1024xf32, #tpu.memory_space<vmem_shared>> -> memref<16x1024xf32, #tpu.memory_space<vmem_shared>>
      tpu.wait_dma2 semaphore(%arg16 : memref<!tpu.dma_semaphore, #tpu.memory_space<semaphore_mem>>) src(%dma_wait3A_330 : memref<16x1024xf32, #tpu.memory_space<vmem_shared>>) dst(%dma_wait3A_326 : memref<16x1024xf32, #tpu.memory_space<hbm>>)
      %dma_start3A_331 = arith.constant 0 : i32
      %dma_start3A_332 = arith.constant 0 : i32
      %dma_start3A_333 = arith.constant 0 : i32
      %dma_start3A_334 = tpu.memref_slice %arg9[%arg1, %dma_start3A_331, %dma_start3A_332, %dma_start3A_333] : memref<16x3x16x1024xf32, #tpu.memory_space<vmem_shared>> -> memref<1x1x16x1024xf32, #tpu.memory_space<vmem_shared>>
      %dma_start3A_335 = tpu.memref_squeeze %dma_start3A_334 : memref<1x1x16x1024xf32, #tpu.memory_space<vmem_shared>> -> memref<16x1024xf32, #tpu.memory_space<vmem_shared>>
      %dma_start3A_336 = arith.constant 0 : i32
      %dma_start3A_337 = arith.constant 0 : i32
      %dma_start3A_338 = tpu.memref_slice %arg9[%arg1, %dma_start3A_331, %dma_start3A_336, %dma_start3A_337] : memref<16x3x16x1024xf32, #tpu.memory_space<vmem_shared>> -> memref<1x1x16x1024xf32, #tpu.memory_space<vmem_shared>>
      %dma_start3A_339 = tpu.memref_squeeze %dma_start3A_338 : memref<1x1x16x1024xf32, #tpu.memory_space<vmem_shared>> -> memref<16x1024xf32, #tpu.memory_space<vmem_shared>>
      tpu.enqueue_dma source(%arg6 : memref<16x1024xf32, #tpu.memory_space<vmem>>) target(%dma_start3A_339 : memref<16x1024xf32, #tpu.memory_space<vmem_shared>>) target_semaphore(%arg13 : memref<!tpu.dma_semaphore, #tpu.memory_space<semaphore_mem>>)
      %dma_wait3A_340 = arith.constant 0 : i32
      %dma_wait3A_341 = arith.constant 0 : i32
      %dma_wait3A_342 = arith.constant 0 : i32
      %dma_wait3A_343 = tpu.memref_slice %arg9[%arg1, %dma_wait3A_340, %dma_wait3A_341, %dma_wait3A_342] : memref<16x3x16x1024xf32, #tpu.memory_space<vmem_shared>> -> memref<1x1x16x1024xf32, #tpu.memory_space<vmem_shared>>
      %dma_wait3A_344 = tpu.memref_squeeze %dma_wait3A_343 : memref<1x1x16x1024xf32, #tpu.memory_space<vmem_shared>> -> memref<16x1024xf32, #tpu.memory_space<vmem_shared>>
      %dma_wait3A_345 = arith.constant 0 : i32
      %dma_wait3A_346 = arith.constant 0 : i32
      %dma_wait3A_347 = tpu.memref_slice %arg9[%arg1, %dma_wait3A_340, %dma_wait3A_345, %dma_wait3A_346] : memref<16x3x16x1024xf32, #tpu.memory_space<vmem_shared>> -> memref<1x1x16x1024xf32, #tpu.memory_space<vmem_shared>>
      %dma_wait3A_348 = tpu.memref_squeeze %dma_wait3A_347 : memref<1x1x16x1024xf32, #tpu.memory_space<vmem_shared>> -> memref<16x1024xf32, #tpu.memory_space<vmem_shared>>
      tpu.wait_dma2 semaphore(%arg13 : memref<!tpu.dma_semaphore, #tpu.memory_space<semaphore_mem>>) src(%arg6 : memref<16x1024xf32, #tpu.memory_space<vmem>>) dst(%dma_wait3A_348 : memref<16x1024xf32, #tpu.memory_space<vmem_shared>>)
      %add3A_349 = arith.constant 0 : i32
      %add3A_350 = arith.addi %multiple_of3A, %add3A_349 : i32
      %add3A_351 = arith.addi %mul3A_2, %add3A_350 : i32
      %dma_start3A_352 = arith.constant 0 : i32
      %dma_start3A_353 = arith.constant 0 : i32
      %dma_start3A_354 = tpu.memref_slice %arg4[%add3A_351, %dma_start3A_353] : memref<32768x1024xf32, #tpu.memory_space<hbm>> -> memref<16x1024xf32, #tpu.memory_space<hbm>>
      %dma_start3A_355 = arith.constant 0 : i32
      %dma_start3A_356 = arith.constant 0 : i32
      %dma_start3A_357 = tpu.memref_slice %arg9[%arg1, %dma_start3A_352, %dma_start3A_355, %dma_start3A_356] : memref<16x3x16x1024xf32, #tpu.memory_space<vmem_shared>> -> memref<1x1x16x1024xf32, #tpu.memory_space<vmem_shared>>
      %dma_start3A_358 = tpu.memref_squeeze %dma_start3A_357 : memref<1x1x16x1024xf32, #tpu.memory_space<vmem_shared>> -> memref<16x1024xf32, #tpu.memory_space<vmem_shared>>
      tpu.enqueue_dma source(%dma_start3A_358 : memref<16x1024xf32, #tpu.memory_space<vmem_shared>>) target(%dma_start3A_354 : memref<16x1024xf32, #tpu.memory_space<hbm>>) target_semaphore(%arg16 : memref<!tpu.dma_semaphore, #tpu.memory_space<semaphore_mem>>)
      %add3A_359 = arith.constant 48 : i32
      %add3A_360 = arith.addi %multiple_of3A, %add3A_359 : i32
      %dma_start3A_361 = tpu.memref_slice %arg5[%add3A_360] : memref<1024xi32, #tpu.memory_space<vmem>> -> memref<16xi32, #tpu.memory_space<vmem>>
      %dma_start3A_362 = arith.constant 0 : i32
      %dma_start3A_363 = arith.constant 0 : i32
      %dma_start3A_364 = tpu.memref_slice %arg2[%dma_start3A_362, %dma_start3A_363] : memref<8192x1024xf32, #tpu.memory_space<hbm>> -> memref<8192x1024xf32, #tpu.memory_space<hbm>>
      tpu.enqueue_indirect_dma source(%dma_start3A_364 : memref<8192x1024xf32, #tpu.memory_space<hbm>>) target(%arg6 : memref<16x1024xf32, #tpu.memory_space<vmem>>) offsets(%dma_start3A_361 : memref<16xi32, #tpu.memory_space<vmem>>) semaphore(%arg10 : memref<!tpu.dma_semaphore, #tpu.memory_space<semaphore_mem>>)
      %dma_wait3A_365 = arith.constant 0 : i32
      %dma_wait3A_366 = tpu.memref_slice %arg5[%dma_wait3A_365] : memref<1024xi32, #tpu.memory_space<vmem>> -> memref<16xi32, #tpu.memory_space<vmem>>
      %dma_wait3A_367 = arith.constant 0 : i32
      %dma_wait3A_368 = arith.constant 0 : i32
      %dma_wait3A_369 = tpu.memref_slice %arg2[%dma_wait3A_367, %dma_wait3A_368] : memref<8192x1024xf32, #tpu.memory_space<hbm>> -> memref<8192x1024xf32, #tpu.memory_space<hbm>>
      tpu.wait_indirect_dma semaphore(%arg11 : memref<!tpu.dma_semaphore, #tpu.memory_space<semaphore_mem>>) src(%dma_wait3A_369 : memref<8192x1024xf32, #tpu.memory_space<hbm>>) dst(%arg7 : memref<16x1024xf32, #tpu.memory_space<vmem>>)
      %dma_wait3A_370 = arith.constant 1 : i32
      %dma_wait3A_371 = arith.constant 0 : i32
      %dma_wait3A_372 = tpu.memref_slice %arg4[%mul3A_2, %dma_wait3A_371] : memref<32768x1024xf32, #tpu.memory_space<hbm>> -> memref<16x1024xf32, #tpu.memory_space<hbm>>
      %dma_wait3A_373 = arith.constant 0 : i32
      %dma_wait3A_374 = arith.constant 0 : i32
      %dma_wait3A_375 = tpu.memref_slice %arg9[%arg1, %dma_wait3A_370, %dma_wait3A_373, %dma_wait3A_374] : memref<16x3x16x1024xf32, #tpu.memory_space<vmem_shared>> -> memref<1x1x16x1024xf32, #tpu.memory_space<vmem_shared>>
      %dma_wait3A_376 = tpu.memref_squeeze %dma_wait3A_375 : memref<1x1x16x1024xf32, #tpu.memory_space<vmem_shared>> -> memref<16x1024xf32, #tpu.memory_space<vmem_shared>>
      tpu.wait_dma2 semaphore(%arg17 : memref<!tpu.dma_semaphore, #tpu.memory_space<semaphore_mem>>) src(%dma_wait3A_376 : memref<16x1024xf32, #tpu.memory_space<vmem_shared>>) dst(%dma_wait3A_372 : memref<16x1024xf32, #tpu.memory_space<hbm>>)
      %dma_start3A_377 = arith.constant 1 : i32
      %dma_start3A_378 = arith.constant 0 : i32
      %dma_start3A_379 = arith.constant 0 : i32
      %dma_start3A_380 = tpu.memref_slice %arg9[%arg1, %dma_start3A_377, %dma_start3A_378, %dma_start3A_379] : memref<16x3x16x1024xf32, #tpu.memory_space<vmem_shared>> -> memref<1x1x16x1024xf32, #tpu.memory_space<vmem_shared>>
      %dma_start3A_381 = tpu.memref_squeeze %dma_start3A_380 : memref<1x1x16x1024xf32, #tpu.memory_space<vmem_shared>> -> memref<16x1024xf32, #tpu.memory_space<vmem_shared>>
      %dma_start3A_382 = arith.constant 0 : i32
      %dma_start3A_383 = arith.constant 0 : i32
      %dma_start3A_384 = tpu.memref_slice %arg9[%arg1, %dma_start3A_377, %dma_start3A_382, %dma_start3A_383] : memref<16x3x16x1024xf32, #tpu.memory_space<vmem_shared>> -> memref<1x1x16x1024xf32, #tpu.memory_space<vmem_shared>>
      %dma_start3A_385 = tpu.memref_squeeze %dma_start3A_384 : memref<1x1x16x1024xf32, #tpu.memory_space<vmem_shared>> -> memref<16x1024xf32, #tpu.memory_space<vmem_shared>>
      tpu.enqueue_dma source(%arg7 : memref<16x1024xf32, #tpu.memory_space<vmem>>) target(%dma_start3A_385 : memref<16x1024xf32, #tpu.memory_space<vmem_shared>>) target_semaphore(%arg14 : memref<!tpu.dma_semaphore, #tpu.memory_space<semaphore_mem>>)
      %dma_wait3A_386 = arith.constant 1 : i32
      %dma_wait3A_387 = arith.constant 0 : i32
      %dma_wait3A_388 = arith.constant 0 : i32
      %dma_wait3A_389 = tpu.memref_slice %arg9[%arg1, %dma_wait3A_386, %dma_wait3A_387, %dma_wait3A_388] : memref<16x3x16x1024xf32, #tpu.memory_space<vmem_shared>> -> memref<1x1x16x1024xf32, #tpu.memory_space<vmem_shared>>
      %dma_wait3A_390 = tpu.memref_squeeze %dma_wait3A_389 : memref<1x1x16x1024xf32, #tpu.memory_space<vmem_shared>> -> memref<16x1024xf32, #tpu.memory_space<vmem_shared>>
      %dma_wait3A_391 = arith.constant 0 : i32
      %dma_wait3A_392 = arith.constant 0 : i32
      %dma_wait3A_393 = tpu.memref_slice %arg9[%arg1, %dma_wait3A_386, %dma_wait3A_391, %dma_wait3A_392] : memref<16x3x16x1024xf32, #tpu.memory_space<vmem_shared>> -> memref<1x1x16x1024xf32, #tpu.memory_space<vmem_shared>>
      %dma_wait3A_394 = tpu.memref_squeeze %dma_wait3A_393 : memref<1x1x16x1024xf32, #tpu.memory_space<vmem_shared>> -> memref<16x1024xf32, #tpu.memory_space<vmem_shared>>
      tpu.wait_dma2 semaphore(%arg14 : memref<!tpu.dma_semaphore, #tpu.memory_space<semaphore_mem>>) src(%arg7 : memref<16x1024xf32, #tpu.memory_space<vmem>>) dst(%dma_wait3A_394 : memref<16x1024xf32, #tpu.memory_space<vmem_shared>>)
      %add3A_395 = arith.constant 16 : i32
      %add3A_396 = arith.addi %multiple_of3A, %add3A_395 : i32
      %add3A_397 = arith.addi %mul3A_2, %add3A_396 : i32
      %dma_start3A_398 = arith.constant 1 : i32
      %dma_start3A_399 = arith.constant 0 : i32
      %dma_start3A_400 = tpu.memref_slice %arg4[%add3A_397, %dma_start3A_399] : memref<32768x1024xf32, #tpu.memory_space<hbm>> -> memref<16x1024xf32, #tpu.memory_space<hbm>>
      %dma_start3A_401 = arith.constant 0 : i32
      %dma_start3A_402 = arith.constant 0 : i32
      %dma_start3A_403 = tpu.memref_slice %arg9[%arg1, %dma_start3A_398, %dma_start3A_401, %dma_start3A_402] : memref<16x3x16x1024xf32, #tpu.memory_space<vmem_shared>> -> memref<1x1x16x1024xf32, #tpu.memory_space<vmem_shared>>
      %dma_start3A_404 = tpu.memref_squeeze %dma_start3A_403 : memref<1x1x16x1024xf32, #tpu.memory_space<vmem_shared>> -> memref<16x1024xf32, #tpu.memory_space<vmem_shared>>
      tpu.enqueue_dma source(%dma_start3A_404 : memref<16x1024xf32, #tpu.memory_space<vmem_shared>>) target(%dma_start3A_400 : memref<16x1024xf32, #tpu.memory_space<hbm>>) target_semaphore(%arg17 : memref<!tpu.dma_semaphore, #tpu.memory_space<semaphore_mem>>)
      %add3A_405 = arith.constant 64 : i32
      %add3A_406 = arith.addi %multiple_of3A, %add3A_405 : i32
      %dma_start3A_407 = tpu.memref_slice %arg5[%add3A_406] : memref<1024xi32, #tpu.memory_space<vmem>> -> memref<16xi32, #tpu.memory_space<vmem>>
      %dma_start3A_408 = arith.constant 0 : i32
      %dma_start3A_409 = arith.constant 0 : i32
      %dma_start3A_410 = tpu.memref_slice %arg2[%dma_start3A_408, %dma_start3A_409] : memref<8192x1024xf32, #tpu.memory_space<hbm>> -> memref<8192x1024xf32, #tpu.memory_space<hbm>>
      tpu.enqueue_indirect_dma source(%dma_start3A_410 : memref<8192x1024xf32, #tpu.memory_space<hbm>>) target(%arg7 : memref<16x1024xf32, #tpu.memory_space<vmem>>) offsets(%dma_start3A_407 : memref<16xi32, #tpu.memory_space<vmem>>) semaphore(%arg11 : memref<!tpu.dma_semaphore, #tpu.memory_space<semaphore_mem>>)
      %dma_wait3A_411 = arith.constant 0 : i32
      %dma_wait3A_412 = tpu.memref_slice %arg5[%dma_wait3A_411] : memref<1024xi32, #tpu.memory_space<vmem>> -> memref<16xi32, #tpu.memory_space<vmem>>
      %dma_wait3A_413 = arith.constant 0 : i32
      %dma_wait3A_414 = arith.constant 0 : i32
      %dma_wait3A_415 = tpu.memref_slice %arg2[%dma_wait3A_413, %dma_wait3A_414] : memref<8192x1024xf32, #tpu.memory_space<hbm>> -> memref<8192x1024xf32, #tpu.memory_space<hbm>>
      tpu.wait_indirect_dma semaphore(%arg12 : memref<!tpu.dma_semaphore, #tpu.memory_space<semaphore_mem>>) src(%dma_wait3A_415 : memref<8192x1024xf32, #tpu.memory_space<hbm>>) dst(%arg8 : memref<16x1024xf32, #tpu.memory_space<vmem>>)
      %dma_wait3A_416 = arith.constant 2 : i32
      %dma_wait3A_417 = arith.constant 0 : i32
      %dma_wait3A_418 = tpu.memref_slice %arg4[%mul3A_2, %dma_wait3A_417] : memref<32768x1024xf32, #tpu.memory_space<hbm>> -> memref<16x1024xf32, #tpu.memory_space<hbm>>
      %dma_wait3A_419 = arith.constant 0 : i32
      %dma_wait3A_420 = arith.constant 0 : i32
      %dma_wait3A_421 = tpu.memref_slice %arg9[%arg1, %dma_wait3A_416, %dma_wait3A_419, %dma_wait3A_420] : memref<16x3x16x1024xf32, #tpu.memory_space<vmem_shared>> -> memref<1x1x16x1024xf32, #tpu.memory_space<vmem_shared>>
      %dma_wait3A_422 = tpu.memref_squeeze %dma_wait3A_421 : memref<1x1x16x1024xf32, #tpu.memory_space<vmem_shared>> -> memref<16x1024xf32, #tpu.memory_space<vmem_shared>>
      tpu.wait_dma2 semaphore(%arg18 : memref<!tpu.dma_semaphore, #tpu.memory_space<semaphore_mem>>) src(%dma_wait3A_422 : memref<16x1024xf32, #tpu.memory_space<vmem_shared>>) dst(%dma_wait3A_418 : memref<16x1024xf32, #tpu.memory_space<hbm>>)
      %dma_start3A_423 = arith.constant 2 : i32
      %dma_start3A_424 = arith.constant 0 : i32
      %dma_start3A_425 = arith.constant 0 : i32
      %dma_start3A_426 = tpu.memref_slice %arg9[%arg1, %dma_start3A_423, %dma_start3A_424, %dma_start3A_425] : memref<16x3x16x1024xf32, #tpu.memory_space<vmem_shared>> -> memref<1x1x16x1024xf32, #tpu.memory_space<vmem_shared>>
      %dma_start3A_427 = tpu.memref_squeeze %dma_start3A_426 : memref<1x1x16x1024xf32, #tpu.memory_space<vmem_shared>> -> memref<16x1024xf32, #tpu.memory_space<vmem_shared>>
      %dma_start3A_428 = arith.constant 0 : i32
      %dma_start3A_429 = arith.constant 0 : i32
      %dma_start3A_430 = tpu.memref_slice %arg9[%arg1, %dma_start3A_423, %dma_start3A_428, %dma_start3A_429] : memref<16x3x16x1024xf32, #tpu.memory_space<vmem_shared>> -> memref<1x1x16x1024xf32, #tpu.memory_space<vmem_shared>>
      %dma_start3A_431 = tpu.memref_squeeze %dma_start3A_430 : memref<1x1x16x1024xf32, #tpu.memory_space<vmem_shared>> -> memref<16x1024xf32, #tpu.memory_space<vmem_shared>>
      tpu.enqueue_dma source(%arg8 : memref<16x1024xf32, #tpu.memory_space<vmem>>) target(%dma_start3A_431 : memref<16x1024xf32, #tpu.memory_space<vmem_shared>>) target_semaphore(%arg15 : memref<!tpu.dma_semaphore, #tpu.memory_space<semaphore_mem>>)
      %dma_wait3A_432 = arith.constant 2 : i32
      %dma_wait3A_433 = arith.constant 0 : i32
      %dma_wait3A_434 = arith.constant 0 : i32
      %dma_wait3A_435 = tpu.memref_slice %arg9[%arg1, %dma_wait3A_432, %dma_wait3A_433, %dma_wait3A_434] : memref<16x3x16x1024xf32, #tpu.memory_space<vmem_shared>> -> memref<1x1x16x1024xf32, #tpu.memory_space<vmem_shared>>
      %dma_wait3A_436 = tpu.memref_squeeze %dma_wait3A_435 : memref<1x1x16x1024xf32, #tpu.memory_space<vmem_shared>> -> memref<16x1024xf32, #tpu.memory_space<vmem_shared>>
      %dma_wait3A_437 = arith.constant 0 : i32
      %dma_wait3A_438 = arith.constant 0 : i32
      %dma_wait3A_439 = tpu.memref_slice %arg9[%arg1, %dma_wait3A_432, %dma_wait3A_437, %dma_wait3A_438] : memref<16x3x16x1024xf32, #tpu.memory_space<vmem_shared>> -> memref<1x1x16x1024xf32, #tpu.memory_space<vmem_shared>>
      %dma_wait3A_440 = tpu.memref_squeeze %dma_wait3A_439 : memref<1x1x16x1024xf32, #tpu.memory_space<vmem_shared>> -> memref<16x1024xf32, #tpu.memory_space<vmem_shared>>
      tpu.wait_dma2 semaphore(%arg15 : memref<!tpu.dma_semaphore, #tpu.memory_space<semaphore_mem>>) src(%arg8 : memref<16x1024xf32, #tpu.memory_space<vmem>>) dst(%dma_wait3A_440 : memref<16x1024xf32, #tpu.memory_space<vmem_shared>>)
      %add3A_441 = arith.constant 32 : i32
      %add3A_442 = arith.addi %multiple_of3A, %add3A_441 : i32
      %add3A_443 = arith.addi %mul3A_2, %add3A_442 : i32
      %dma_start3A_444 = arith.constant 2 : i32
      %dma_start3A_445 = arith.constant 0 : i32
      %dma_start3A_446 = tpu.memref_slice %arg4[%add3A_443, %dma_start3A_445] : memref<32768x1024xf32, #tpu.memory_space<hbm>> -> memref<16x1024xf32, #tpu.memory_space<hbm>>
      %dma_start3A_447 = arith.constant 0 : i32
      %dma_start3A_448 = arith.constant 0 : i32
      %dma_start3A_449 = tpu.memref_slice %arg9[%arg1, %dma_start3A_444, %dma_start3A_447, %dma_start3A_448] : memref<16x3x16x1024xf32, #tpu.memory_space<vmem_shared>> -> memref<1x1x16x1024xf32, #tpu.memory_space<vmem_shared>>
      %dma_start3A_450 = tpu.memref_squeeze %dma_start3A_449 : memref<1x1x16x1024xf32, #tpu.memory_space<vmem_shared>> -> memref<16x1024xf32, #tpu.memory_space<vmem_shared>>
      tpu.enqueue_dma source(%dma_start3A_450 : memref<16x1024xf32, #tpu.memory_space<vmem_shared>>) target(%dma_start3A_446 : memref<16x1024xf32, #tpu.memory_space<hbm>>) target_semaphore(%arg18 : memref<!tpu.dma_semaphore, #tpu.memory_space<semaphore_mem>>)
      %add3A_451 = arith.constant 80 : i32
      %add3A_452 = arith.addi %multiple_of3A, %add3A_451 : i32
      %dma_start3A_453 = tpu.memref_slice %arg5[%add3A_452] : memref<1024xi32, #tpu.memory_space<vmem>> -> memref<16xi32, #tpu.memory_space<vmem>>
      %dma_start3A_454 = arith.constant 0 : i32
      %dma_start3A_455 = arith.constant 0 : i32
      %dma_start3A_456 = tpu.memref_slice %arg2[%dma_start3A_454, %dma_start3A_455] : memref<8192x1024xf32, #tpu.memory_space<hbm>> -> memref<8192x1024xf32, #tpu.memory_space<hbm>>
      tpu.enqueue_indirect_dma source(%dma_start3A_456 : memref<8192x1024xf32, #tpu.memory_space<hbm>>) target(%arg8 : memref<16x1024xf32, #tpu.memory_space<vmem>>) offsets(%dma_start3A_453 : memref<16xi32, #tpu.memory_space<vmem>>) semaphore(%arg12 : memref<!tpu.dma_semaphore, #tpu.memory_space<semaphore_mem>>)
    }
    %scan3A_131 = arith.constant 19 : i32
    %dma_wait3A_132 = arith.constant 0 : i32
    %dma_wait3A_133 = tpu.memref_slice %arg5[%dma_wait3A_132] : memref<1024xi32, #tpu.memory_space<vmem>> -> memref<16xi32, #tpu.memory_space<vmem>>
    %dma_wait3A_134 = arith.constant 0 : i32
    %dma_wait3A_135 = arith.constant 0 : i32
    %dma_wait3A_136 = tpu.memref_slice %arg2[%dma_wait3A_134, %dma_wait3A_135] : memref<8192x1024xf32, #tpu.memory_space<hbm>> -> memref<8192x1024xf32, #tpu.memory_space<hbm>>
    tpu.wait_indirect_dma semaphore(%arg10 : memref<!tpu.dma_semaphore, #tpu.memory_space<semaphore_mem>>) src(%dma_wait3A_136 : memref<8192x1024xf32, #tpu.memory_space<hbm>>) dst(%arg6 : memref<16x1024xf32, #tpu.memory_space<vmem>>)
    %dma_wait3A_137 = arith.constant 0 : i32
    %dma_wait3A_138 = arith.constant 0 : i32
    %dma_wait3A_139 = tpu.memref_slice %arg4[%mul3A_2, %dma_wait3A_138] : memref<32768x1024xf32, #tpu.memory_space<hbm>> -> memref<16x1024xf32, #tpu.memory_space<hbm>>
    %dma_wait3A_140 = arith.constant 0 : i32
    %dma_wait3A_141 = arith.constant 0 : i32
    %dma_wait3A_142 = tpu.memref_slice %arg9[%arg1, %dma_wait3A_137, %dma_wait3A_140, %dma_wait3A_141] : memref<16x3x16x1024xf32, #tpu.memory_space<vmem_shared>> -> memref<1x1x16x1024xf32, #tpu.memory_space<vmem_shared>>
    %dma_wait3A_143 = tpu.memref_squeeze %dma_wait3A_142 : memref<1x1x16x1024xf32, #tpu.memory_space<vmem_shared>> -> memref<16x1024xf32, #tpu.memory_space<vmem_shared>>
    tpu.wait_dma2 semaphore(%arg16 : memref<!tpu.dma_semaphore, #tpu.memory_space<semaphore_mem>>) src(%dma_wait3A_143 : memref<16x1024xf32, #tpu.memory_space<vmem_shared>>) dst(%dma_wait3A_139 : memref<16x1024xf32, #tpu.memory_space<hbm>>)
    %dma_start3A_144 = arith.constant 0 : i32
    %dma_start3A_145 = arith.constant 0 : i32
    %dma_start3A_146 = arith.constant 0 : i32
    %dma_start3A_147 = tpu.memref_slice %arg9[%arg1, %dma_start3A_144, %dma_start3A_145, %dma_start3A_146] : memref<16x3x16x1024xf32, #tpu.memory_space<vmem_shared>> -> memref<1x1x16x1024xf32, #tpu.memory_space<vmem_shared>>
    %dma_start3A_148 = tpu.memref_squeeze %dma_start3A_147 : memref<1x1x16x1024xf32, #tpu.memory_space<vmem_shared>> -> memref<16x1024xf32, #tpu.memory_space<vmem_shared>>
    %dma_start3A_149 = arith.constant 0 : i32
    %dma_start3A_150 = arith.constant 0 : i32
    %dma_start3A_151 = tpu.memref_slice %arg9[%arg1, %dma_start3A_144, %dma_start3A_149, %dma_start3A_150] : memref<16x3x16x1024xf32, #tpu.memory_space<vmem_shared>> -> memref<1x1x16x1024xf32, #tpu.memory_space<vmem_shared>>
    %dma_start3A_152 = tpu.memref_squeeze %dma_start3A_151 : memref<1x1x16x1024xf32, #tpu.memory_space<vmem_shared>> -> memref<16x1024xf32, #tpu.memory_space<vmem_shared>>
    tpu.enqueue_dma source(%arg6 : memref<16x1024xf32, #tpu.memory_space<vmem>>) target(%dma_start3A_152 : memref<16x1024xf32, #tpu.memory_space<vmem_shared>>) target_semaphore(%arg13 : memref<!tpu.dma_semaphore, #tpu.memory_space<semaphore_mem>>)
    %dma_wait3A_153 = arith.constant 0 : i32
    %dma_wait3A_154 = arith.constant 0 : i32
    %dma_wait3A_155 = arith.constant 0 : i32
    %dma_wait3A_156 = tpu.memref_slice %arg9[%arg1, %dma_wait3A_153, %dma_wait3A_154, %dma_wait3A_155] : memref<16x3x16x1024xf32, #tpu.memory_space<vmem_shared>> -> memref<1x1x16x1024xf32, #tpu.memory_space<vmem_shared>>
    %dma_wait3A_157 = tpu.memref_squeeze %dma_wait3A_156 : memref<1x1x16x1024xf32, #tpu.memory_space<vmem_shared>> -> memref<16x1024xf32, #tpu.memory_space<vmem_shared>>
    %dma_wait3A_158 = arith.constant 0 : i32
    %dma_wait3A_159 = arith.constant 0 : i32
    %dma_wait3A_160 = tpu.memref_slice %arg9[%arg1, %dma_wait3A_153, %dma_wait3A_158, %dma_wait3A_159] : memref<16x3x16x1024xf32, #tpu.memory_space<vmem_shared>> -> memref<1x1x16x1024xf32, #tpu.memory_space<vmem_shared>>
    %dma_wait3A_161 = tpu.memref_squeeze %dma_wait3A_160 : memref<1x1x16x1024xf32, #tpu.memory_space<vmem_shared>> -> memref<16x1024xf32, #tpu.memory_space<vmem_shared>>
    tpu.wait_dma2 semaphore(%arg13 : memref<!tpu.dma_semaphore, #tpu.memory_space<semaphore_mem>>) src(%arg6 : memref<16x1024xf32, #tpu.memory_space<vmem>>) dst(%dma_wait3A_161 : memref<16x1024xf32, #tpu.memory_space<vmem_shared>>)
    %add3A_162 = arith.constant 960 : i32
    %add3A_163 = arith.addi %mul3A_2, %add3A_162 : i32
    %dma_start3A_164 = arith.constant 0 : i32
    %dma_start3A_165 = arith.constant 0 : i32
    %dma_start3A_166 = tpu.memref_slice %arg4[%add3A_163, %dma_start3A_165] : memref<32768x1024xf32, #tpu.memory_space<hbm>> -> memref<16x1024xf32, #tpu.memory_space<hbm>>
    %dma_start3A_167 = arith.constant 0 : i32
    %dma_start3A_168 = arith.constant 0 : i32
    %dma_start3A_169 = tpu.memref_slice %arg9[%arg1, %dma_start3A_164, %dma_start3A_167, %dma_start3A_168] : memref<16x3x16x1024xf32, #tpu.memory_space<vmem_shared>> -> memref<1x1x16x1024xf32, #tpu.memory_space<vmem_shared>>
    %dma_start3A_170 = tpu.memref_squeeze %dma_start3A_169 : memref<1x1x16x1024xf32, #tpu.memory_space<vmem_shared>> -> memref<16x1024xf32, #tpu.memory_space<vmem_shared>>
    tpu.enqueue_dma source(%dma_start3A_170 : memref<16x1024xf32, #tpu.memory_space<vmem_shared>>) target(%dma_start3A_166 : memref<16x1024xf32, #tpu.memory_space<hbm>>) target_semaphore(%arg16 : memref<!tpu.dma_semaphore, #tpu.memory_space<semaphore_mem>>)
    %dma_start3A_171 = arith.constant 1008 : i32
    %dma_start3A_172 = tpu.memref_slice %arg5[%dma_start3A_171] : memref<1024xi32, #tpu.memory_space<vmem>> -> memref<16xi32, #tpu.memory_space<vmem>>
    %dma_start3A_173 = arith.constant 0 : i32
    %dma_start3A_174 = arith.constant 0 : i32
    %dma_start3A_175 = tpu.memref_slice %arg2[%dma_start3A_173, %dma_start3A_174] : memref<8192x1024xf32, #tpu.memory_space<hbm>> -> memref<8192x1024xf32, #tpu.memory_space<hbm>>
    tpu.enqueue_indirect_dma source(%dma_start3A_175 : memref<8192x1024xf32, #tpu.memory_space<hbm>>) target(%arg6 : memref<16x1024xf32, #tpu.memory_space<vmem>>) offsets(%dma_start3A_172 : memref<16xi32, #tpu.memory_space<vmem>>) semaphore(%arg10 : memref<!tpu.dma_semaphore, #tpu.memory_space<semaphore_mem>>)
    %dma_wait3A_176 = arith.constant 0 : i32
    %dma_wait3A_177 = tpu.memref_slice %arg5[%dma_wait3A_176] : memref<1024xi32, #tpu.memory_space<vmem>> -> memref<16xi32, #tpu.memory_space<vmem>>
    %dma_wait3A_178 = arith.constant 0 : i32
    %dma_wait3A_179 = arith.constant 0 : i32
    %dma_wait3A_180 = tpu.memref_slice %arg2[%dma_wait3A_178, %dma_wait3A_179] : memref<8192x1024xf32, #tpu.memory_space<hbm>> -> memref<8192x1024xf32, #tpu.memory_space<hbm>>
    tpu.wait_indirect_dma semaphore(%arg11 : memref<!tpu.dma_semaphore, #tpu.memory_space<semaphore_mem>>) src(%dma_wait3A_180 : memref<8192x1024xf32, #tpu.memory_space<hbm>>) dst(%arg7 : memref<16x1024xf32, #tpu.memory_space<vmem>>)
    %dma_wait3A_181 = arith.constant 1 : i32
    %dma_wait3A_182 = arith.constant 0 : i32
    %dma_wait3A_183 = tpu.memref_slice %arg4[%mul3A_2, %dma_wait3A_182] : memref<32768x1024xf32, #tpu.memory_space<hbm>> -> memref<16x1024xf32, #tpu.memory_space<hbm>>
    %dma_wait3A_184 = arith.constant 0 : i32
    %dma_wait3A_185 = arith.constant 0 : i32
    %dma_wait3A_186 = tpu.memref_slice %arg9[%arg1, %dma_wait3A_181, %dma_wait3A_184, %dma_wait3A_185] : memref<16x3x16x1024xf32, #tpu.memory_space<vmem_shared>> -> memref<1x1x16x1024xf32, #tpu.memory_space<vmem_shared>>
    %dma_wait3A_187 = tpu.memref_squeeze %dma_wait3A_186 : memref<1x1x16x1024xf32, #tpu.memory_space<vmem_shared>> -> memref<16x1024xf32, #tpu.memory_space<vmem_shared>>
    tpu.wait_dma2 semaphore(%arg17 : memref<!tpu.dma_semaphore, #tpu.memory_space<semaphore_mem>>) src(%dma_wait3A_187 : memref<16x1024xf32, #tpu.memory_space<vmem_shared>>) dst(%dma_wait3A_183 : memref<16x1024xf32, #tpu.memory_space<hbm>>)
    %dma_start3A_188 = arith.constant 1 : i32
    %dma_start3A_189 = arith.constant 0 : i32
    %dma_start3A_190 = arith.constant 0 : i32
    %dma_start3A_191 = tpu.memref_slice %arg9[%arg1, %dma_start3A_188, %dma_start3A_189, %dma_start3A_190] : memref<16x3x16x1024xf32, #tpu.memory_space<vmem_shared>> -> memref<1x1x16x1024xf32, #tpu.memory_space<vmem_shared>>
    %dma_start3A_192 = tpu.memref_squeeze %dma_start3A_191 : memref<1x1x16x1024xf32, #tpu.memory_space<vmem_shared>> -> memref<16x1024xf32, #tpu.memory_space<vmem_shared>>
    %dma_start3A_193 = arith.constant 0 : i32
    %dma_start3A_194 = arith.constant 0 : i32
    %dma_start3A_195 = tpu.memref_slice %arg9[%arg1, %dma_start3A_188, %dma_start3A_193, %dma_start3A_194] : memref<16x3x16x1024xf32, #tpu.memory_space<vmem_shared>> -> memref<1x1x16x1024xf32, #tpu.memory_space<vmem_shared>>
    %dma_start3A_196 = tpu.memref_squeeze %dma_start3A_195 : memref<1x1x16x1024xf32, #tpu.memory_space<vmem_shared>> -> memref<16x1024xf32, #tpu.memory_space<vmem_shared>>
    tpu.enqueue_dma source(%arg7 : memref<16x1024xf32, #tpu.memory_space<vmem>>) target(%dma_start3A_196 : memref<16x1024xf32, #tpu.memory_space<vmem_shared>>) target_semaphore(%arg14 : memref<!tpu.dma_semaphore, #tpu.memory_space<semaphore_mem>>)
    %dma_wait3A_197 = arith.constant 1 : i32
    %dma_wait3A_198 = arith.constant 0 : i32
    %dma_wait3A_199 = arith.constant 0 : i32
    %dma_wait3A_200 = tpu.memref_slice %arg9[%arg1, %dma_wait3A_197, %dma_wait3A_198, %dma_wait3A_199] : memref<16x3x16x1024xf32, #tpu.memory_space<vmem_shared>> -> memref<1x1x16x1024xf32, #tpu.memory_space<vmem_shared>>
    %dma_wait3A_201 = tpu.memref_squeeze %dma_wait3A_200 : memref<1x1x16x1024xf32, #tpu.memory_space<vmem_shared>> -> memref<16x1024xf32, #tpu.memory_space<vmem_shared>>
    %dma_wait3A_202 = arith.constant 0 : i32
    %dma_wait3A_203 = arith.constant 0 : i32
    %dma_wait3A_204 = tpu.memref_slice %arg9[%arg1, %dma_wait3A_197, %dma_wait3A_202, %dma_wait3A_203] : memref<16x3x16x1024xf32, #tpu.memory_space<vmem_shared>> -> memref<1x1x16x1024xf32, #tpu.memory_space<vmem_shared>>
    %dma_wait3A_205 = tpu.memref_squeeze %dma_wait3A_204 : memref<1x1x16x1024xf32, #tpu.memory_space<vmem_shared>> -> memref<16x1024xf32, #tpu.memory_space<vmem_shared>>
    tpu.wait_dma2 semaphore(%arg14 : memref<!tpu.dma_semaphore, #tpu.memory_space<semaphore_mem>>) src(%arg7 : memref<16x1024xf32, #tpu.memory_space<vmem>>) dst(%dma_wait3A_205 : memref<16x1024xf32, #tpu.memory_space<vmem_shared>>)
    %add3A_206 = arith.constant 976 : i32
    %add3A_207 = arith.addi %mul3A_2, %add3A_206 : i32
    %dma_start3A_208 = arith.constant 1 : i32
    %dma_start3A_209 = arith.constant 0 : i32
    %dma_start3A_210 = tpu.memref_slice %arg4[%add3A_207, %dma_start3A_209] : memref<32768x1024xf32, #tpu.memory_space<hbm>> -> memref<16x1024xf32, #tpu.memory_space<hbm>>
    %dma_start3A_211 = arith.constant 0 : i32
    %dma_start3A_212 = arith.constant 0 : i32
    %dma_start3A_213 = tpu.memref_slice %arg9[%arg1, %dma_start3A_208, %dma_start3A_211, %dma_start3A_212] : memref<16x3x16x1024xf32, #tpu.memory_space<vmem_shared>> -> memref<1x1x16x1024xf32, #tpu.memory_space<vmem_shared>>
    %dma_start3A_214 = tpu.memref_squeeze %dma_start3A_213 : memref<1x1x16x1024xf32, #tpu.memory_space<vmem_shared>> -> memref<16x1024xf32, #tpu.memory_space<vmem_shared>>
    tpu.enqueue_dma source(%dma_start3A_214 : memref<16x1024xf32, #tpu.memory_space<vmem_shared>>) target(%dma_start3A_210 : memref<16x1024xf32, #tpu.memory_space<hbm>>) target_semaphore(%arg17 : memref<!tpu.dma_semaphore, #tpu.memory_space<semaphore_mem>>)
    %dma_wait3A_215 = arith.constant 0 : i32
    %dma_wait3A_216 = tpu.memref_slice %arg5[%dma_wait3A_215] : memref<1024xi32, #tpu.memory_space<vmem>> -> memref<16xi32, #tpu.memory_space<vmem>>
    %dma_wait3A_217 = arith.constant 0 : i32
    %dma_wait3A_218 = arith.constant 0 : i32
    %dma_wait3A_219 = tpu.memref_slice %arg2[%dma_wait3A_217, %dma_wait3A_218] : memref<8192x1024xf32, #tpu.memory_space<hbm>> -> memref<8192x1024xf32, #tpu.memory_space<hbm>>
    tpu.wait_indirect_dma semaphore(%arg12 : memref<!tpu.dma_semaphore, #tpu.memory_space<semaphore_mem>>) src(%dma_wait3A_219 : memref<8192x1024xf32, #tpu.memory_space<hbm>>) dst(%arg8 : memref<16x1024xf32, #tpu.memory_space<vmem>>)
    %dma_wait3A_220 = arith.constant 2 : i32
    %dma_wait3A_221 = arith.constant 0 : i32
    %dma_wait3A_222 = tpu.memref_slice %arg4[%mul3A_2, %dma_wait3A_221] : memref<32768x1024xf32, #tpu.memory_space<hbm>> -> memref<16x1024xf32, #tpu.memory_space<hbm>>
    %dma_wait3A_223 = arith.constant 0 : i32
    %dma_wait3A_224 = arith.constant 0 : i32
    %dma_wait3A_225 = tpu.memref_slice %arg9[%arg1, %dma_wait3A_220, %dma_wait3A_223, %dma_wait3A_224] : memref<16x3x16x1024xf32, #tpu.memory_space<vmem_shared>> -> memref<1x1x16x1024xf32, #tpu.memory_space<vmem_shared>>
    %dma_wait3A_226 = tpu.memref_squeeze %dma_wait3A_225 : memref<1x1x16x1024xf32, #tpu.memory_space<vmem_shared>> -> memref<16x1024xf32, #tpu.memory_space<vmem_shared>>
    tpu.wait_dma2 semaphore(%arg18 : memref<!tpu.dma_semaphore, #tpu.memory_space<semaphore_mem>>) src(%dma_wait3A_226 : memref<16x1024xf32, #tpu.memory_space<vmem_shared>>) dst(%dma_wait3A_222 : memref<16x1024xf32, #tpu.memory_space<hbm>>)
    %dma_start3A_227 = arith.constant 2 : i32
    %dma_start3A_228 = arith.constant 0 : i32
    %dma_start3A_229 = arith.constant 0 : i32
    %dma_start3A_230 = tpu.memref_slice %arg9[%arg1, %dma_start3A_227, %dma_start3A_228, %dma_start3A_229] : memref<16x3x16x1024xf32, #tpu.memory_space<vmem_shared>> -> memref<1x1x16x1024xf32, #tpu.memory_space<vmem_shared>>
    %dma_start3A_231 = tpu.memref_squeeze %dma_start3A_230 : memref<1x1x16x1024xf32, #tpu.memory_space<vmem_shared>> -> memref<16x1024xf32, #tpu.memory_space<vmem_shared>>
    %dma_start3A_232 = arith.constant 0 : i32
    %dma_start3A_233 = arith.constant 0 : i32
    %dma_start3A_234 = tpu.memref_slice %arg9[%arg1, %dma_start3A_227, %dma_start3A_232, %dma_start3A_233] : memref<16x3x16x1024xf32, #tpu.memory_space<vmem_shared>> -> memref<1x1x16x1024xf32, #tpu.memory_space<vmem_shared>>
    %dma_start3A_235 = tpu.memref_squeeze %dma_start3A_234 : memref<1x1x16x1024xf32, #tpu.memory_space<vmem_shared>> -> memref<16x1024xf32, #tpu.memory_space<vmem_shared>>
    tpu.enqueue_dma source(%arg8 : memref<16x1024xf32, #tpu.memory_space<vmem>>) target(%dma_start3A_235 : memref<16x1024xf32, #tpu.memory_space<vmem_shared>>) target_semaphore(%arg15 : memref<!tpu.dma_semaphore, #tpu.memory_space<semaphore_mem>>)
    %dma_wait3A_236 = arith.constant 2 : i32
    %dma_wait3A_237 = arith.constant 0 : i32
    %dma_wait3A_238 = arith.constant 0 : i32
    %dma_wait3A_239 = tpu.memref_slice %arg9[%arg1, %dma_wait3A_236, %dma_wait3A_237, %dma_wait3A_238] : memref<16x3x16x1024xf32, #tpu.memory_space<vmem_shared>> -> memref<1x1x16x1024xf32, #tpu.memory_space<vmem_shared>>
    %dma_wait3A_240 = tpu.memref_squeeze %dma_wait3A_239 : memref<1x1x16x1024xf32, #tpu.memory_space<vmem_shared>> -> memref<16x1024xf32, #tpu.memory_space<vmem_shared>>
    %dma_wait3A_241 = arith.constant 0 : i32
    %dma_wait3A_242 = arith.constant 0 : i32
    %dma_wait3A_243 = tpu.memref_slice %arg9[%arg1, %dma_wait3A_236, %dma_wait3A_241, %dma_wait3A_242] : memref<16x3x16x1024xf32, #tpu.memory_space<vmem_shared>> -> memref<1x1x16x1024xf32, #tpu.memory_space<vmem_shared>>
    %dma_wait3A_244 = tpu.memref_squeeze %dma_wait3A_243 : memref<1x1x16x1024xf32, #tpu.memory_space<vmem_shared>> -> memref<16x1024xf32, #tpu.memory_space<vmem_shared>>
    tpu.wait_dma2 semaphore(%arg15 : memref<!tpu.dma_semaphore, #tpu.memory_space<semaphore_mem>>) src(%arg8 : memref<16x1024xf32, #tpu.memory_space<vmem>>) dst(%dma_wait3A_244 : memref<16x1024xf32, #tpu.memory_space<vmem_shared>>)
    %add3A_245 = arith.constant 992 : i32
    %add3A_246 = arith.addi %mul3A_2, %add3A_245 : i32
    %dma_start3A_247 = arith.constant 2 : i32
    %dma_start3A_248 = arith.constant 0 : i32
    %dma_start3A_249 = tpu.memref_slice %arg4[%add3A_246, %dma_start3A_248] : memref<32768x1024xf32, #tpu.memory_space<hbm>> -> memref<16x1024xf32, #tpu.memory_space<hbm>>
    %dma_start3A_250 = arith.constant 0 : i32
    %dma_start3A_251 = arith.constant 0 : i32
    %dma_start3A_252 = tpu.memref_slice %arg9[%arg1, %dma_start3A_247, %dma_start3A_250, %dma_start3A_251] : memref<16x3x16x1024xf32, #tpu.memory_space<vmem_shared>> -> memref<1x1x16x1024xf32, #tpu.memory_space<vmem_shared>>
    %dma_start3A_253 = tpu.memref_squeeze %dma_start3A_252 : memref<1x1x16x1024xf32, #tpu.memory_space<vmem_shared>> -> memref<16x1024xf32, #tpu.memory_space<vmem_shared>>
    tpu.enqueue_dma source(%dma_start3A_253 : memref<16x1024xf32, #tpu.memory_space<vmem_shared>>) target(%dma_start3A_249 : memref<16x1024xf32, #tpu.memory_space<hbm>>) target_semaphore(%arg18 : memref<!tpu.dma_semaphore, #tpu.memory_space<semaphore_mem>>)
    %dma_wait3A_254 = arith.constant 0 : i32
    %dma_wait3A_255 = tpu.memref_slice %arg5[%dma_wait3A_254] : memref<1024xi32, #tpu.memory_space<vmem>> -> memref<16xi32, #tpu.memory_space<vmem>>
    %dma_wait3A_256 = arith.constant 0 : i32
    %dma_wait3A_257 = arith.constant 0 : i32
    %dma_wait3A_258 = tpu.memref_slice %arg2[%dma_wait3A_256, %dma_wait3A_257] : memref<8192x1024xf32, #tpu.memory_space<hbm>> -> memref<8192x1024xf32, #tpu.memory_space<hbm>>
    tpu.wait_indirect_dma semaphore(%arg10 : memref<!tpu.dma_semaphore, #tpu.memory_space<semaphore_mem>>) src(%dma_wait3A_258 : memref<8192x1024xf32, #tpu.memory_space<hbm>>) dst(%arg6 : memref<16x1024xf32, #tpu.memory_space<vmem>>)
    %dma_wait3A_259 = arith.constant 0 : i32
    %dma_wait3A_260 = arith.constant 0 : i32
    %dma_wait3A_261 = tpu.memref_slice %arg4[%mul3A_2, %dma_wait3A_260] : memref<32768x1024xf32, #tpu.memory_space<hbm>> -> memref<16x1024xf32, #tpu.memory_space<hbm>>
    %dma_wait3A_262 = arith.constant 0 : i32
    %dma_wait3A_263 = arith.constant 0 : i32
    %dma_wait3A_264 = tpu.memref_slice %arg9[%arg1, %dma_wait3A_259, %dma_wait3A_262, %dma_wait3A_263] : memref<16x3x16x1024xf32, #tpu.memory_space<vmem_shared>> -> memref<1x1x16x1024xf32, #tpu.memory_space<vmem_shared>>
    %dma_wait3A_265 = tpu.memref_squeeze %dma_wait3A_264 : memref<1x1x16x1024xf32, #tpu.memory_space<vmem_shared>> -> memref<16x1024xf32, #tpu.memory_space<vmem_shared>>
    tpu.wait_dma2 semaphore(%arg16 : memref<!tpu.dma_semaphore, #tpu.memory_space<semaphore_mem>>) src(%dma_wait3A_265 : memref<16x1024xf32, #tpu.memory_space<vmem_shared>>) dst(%dma_wait3A_261 : memref<16x1024xf32, #tpu.memory_space<hbm>>)
    %dma_start3A_266 = arith.constant 0 : i32
    %dma_start3A_267 = arith.constant 0 : i32
    %dma_start3A_268 = arith.constant 0 : i32
    %dma_start3A_269 = tpu.memref_slice %arg9[%arg1, %dma_start3A_266, %dma_start3A_267, %dma_start3A_268] : memref<16x3x16x1024xf32, #tpu.memory_space<vmem_shared>> -> memref<1x1x16x1024xf32, #tpu.memory_space<vmem_shared>>
    %dma_start3A_270 = tpu.memref_squeeze %dma_start3A_269 : memref<1x1x16x1024xf32, #tpu.memory_space<vmem_shared>> -> memref<16x1024xf32, #tpu.memory_space<vmem_shared>>
    %dma_start3A_271 = arith.constant 0 : i32
    %dma_start3A_272 = arith.constant 0 : i32
    %dma_start3A_273 = tpu.memref_slice %arg9[%arg1, %dma_start3A_266, %dma_start3A_271, %dma_start3A_272] : memref<16x3x16x1024xf32, #tpu.memory_space<vmem_shared>> -> memref<1x1x16x1024xf32, #tpu.memory_space<vmem_shared>>
    %dma_start3A_274 = tpu.memref_squeeze %dma_start3A_273 : memref<1x1x16x1024xf32, #tpu.memory_space<vmem_shared>> -> memref<16x1024xf32, #tpu.memory_space<vmem_shared>>
    tpu.enqueue_dma source(%arg6 : memref<16x1024xf32, #tpu.memory_space<vmem>>) target(%dma_start3A_274 : memref<16x1024xf32, #tpu.memory_space<vmem_shared>>) target_semaphore(%arg13 : memref<!tpu.dma_semaphore, #tpu.memory_space<semaphore_mem>>)
    %dma_wait3A_275 = arith.constant 0 : i32
    %dma_wait3A_276 = arith.constant 0 : i32
    %dma_wait3A_277 = arith.constant 0 : i32
    %dma_wait3A_278 = tpu.memref_slice %arg9[%arg1, %dma_wait3A_275, %dma_wait3A_276, %dma_wait3A_277] : memref<16x3x16x1024xf32, #tpu.memory_space<vmem_shared>> -> memref<1x1x16x1024xf32, #tpu.memory_space<vmem_shared>>
    %dma_wait3A_279 = tpu.memref_squeeze %dma_wait3A_278 : memref<1x1x16x1024xf32, #tpu.memory_space<vmem_shared>> -> memref<16x1024xf32, #tpu.memory_space<vmem_shared>>
    %dma_wait3A_280 = arith.constant 0 : i32
    %dma_wait3A_281 = arith.constant 0 : i32
    %dma_wait3A_282 = tpu.memref_slice %arg9[%arg1, %dma_wait3A_275, %dma_wait3A_280, %dma_wait3A_281] : memref<16x3x16x1024xf32, #tpu.memory_space<vmem_shared>> -> memref<1x1x16x1024xf32, #tpu.memory_space<vmem_shared>>
    %dma_wait3A_283 = tpu.memref_squeeze %dma_wait3A_282 : memref<1x1x16x1024xf32, #tpu.memory_space<vmem_shared>> -> memref<16x1024xf32, #tpu.memory_space<vmem_shared>>
    tpu.wait_dma2 semaphore(%arg13 : memref<!tpu.dma_semaphore, #tpu.memory_space<semaphore_mem>>) src(%arg6 : memref<16x1024xf32, #tpu.memory_space<vmem>>) dst(%dma_wait3A_283 : memref<16x1024xf32, #tpu.memory_space<vmem_shared>>)
    %add3A_284 = arith.constant 1008 : i32
    %add3A_285 = arith.addi %mul3A_2, %add3A_284 : i32
    %dma_start3A_286 = arith.constant 0 : i32
    %dma_start3A_287 = arith.constant 0 : i32
    %dma_start3A_288 = tpu.memref_slice %arg4[%add3A_285, %dma_start3A_287] : memref<32768x1024xf32, #tpu.memory_space<hbm>> -> memref<16x1024xf32, #tpu.memory_space<hbm>>
    %dma_start3A_289 = arith.constant 0 : i32
    %dma_start3A_290 = arith.constant 0 : i32
    %dma_start3A_291 = tpu.memref_slice %arg9[%arg1, %dma_start3A_286, %dma_start3A_289, %dma_start3A_290] : memref<16x3x16x1024xf32, #tpu.memory_space<vmem_shared>> -> memref<1x1x16x1024xf32, #tpu.memory_space<vmem_shared>>
    %dma_start3A_292 = tpu.memref_squeeze %dma_start3A_291 : memref<1x1x16x1024xf32, #tpu.memory_space<vmem_shared>> -> memref<16x1024xf32, #tpu.memory_space<vmem_shared>>
    tpu.enqueue_dma source(%dma_start3A_292 : memref<16x1024xf32, #tpu.memory_space<vmem_shared>>) target(%dma_start3A_288 : memref<16x1024xf32, #tpu.memory_space<hbm>>) target_semaphore(%arg16 : memref<!tpu.dma_semaphore, #tpu.memory_space<semaphore_mem>>)
    %dma_wait3A_293 = arith.constant 0 : i32
    %dma_wait3A_294 = arith.constant 0 : i32
    %dma_wait3A_295 = tpu.memref_slice %arg4[%mul3A_2, %dma_wait3A_294] : memref<32768x1024xf32, #tpu.memory_space<hbm>> -> memref<16x1024xf32, #tpu.memory_space<hbm>>
    %dma_wait3A_296 = arith.constant 0 : i32
    %dma_wait3A_297 = arith.constant 0 : i32
    %dma_wait3A_298 = tpu.memref_slice %arg9[%arg1, %dma_wait3A_293, %dma_wait3A_296, %dma_wait3A_297] : memref<16x3x16x1024xf32, #tpu.memory_space<vmem_shared>> -> memref<1x1x16x1024xf32, #tpu.memory_space<vmem_shared>>
    %dma_wait3A_299 = tpu.memref_squeeze %dma_wait3A_298 : memref<1x1x16x1024xf32, #tpu.memory_space<vmem_shared>> -> memref<16x1024xf32, #tpu.memory_space<vmem_shared>>
    tpu.wait_dma2 semaphore(%arg16 : memref<!tpu.dma_semaphore, #tpu.memory_space<semaphore_mem>>) src(%dma_wait3A_299 : memref<16x1024xf32, #tpu.memory_space<vmem_shared>>) dst(%dma_wait3A_295 : memref<16x1024xf32, #tpu.memory_space<hbm>>)
    %dma_wait3A_300 = arith.constant 1 : i32
    %dma_wait3A_301 = arith.constant 0 : i32
    %dma_wait3A_302 = tpu.memref_slice %arg4[%mul3A_2, %dma_wait3A_301] : memref<32768x1024xf32, #tpu.memory_space<hbm>> -> memref<16x1024xf32, #tpu.memory_space<hbm>>
    %dma_wait3A_303 = arith.constant 0 : i32
    %dma_wait3A_304 = arith.constant 0 : i32
    %dma_wait3A_305 = tpu.memref_slice %arg9[%arg1, %dma_wait3A_300, %dma_wait3A_303, %dma_wait3A_304] : memref<16x3x16x1024xf32, #tpu.memory_space<vmem_shared>> -> memref<1x1x16x1024xf32, #tpu.memory_space<vmem_shared>>
    %dma_wait3A_306 = tpu.memref_squeeze %dma_wait3A_305 : memref<1x1x16x1024xf32, #tpu.memory_space<vmem_shared>> -> memref<16x1024xf32, #tpu.memory_space<vmem_shared>>
    tpu.wait_dma2 semaphore(%arg17 : memref<!tpu.dma_semaphore, #tpu.memory_space<semaphore_mem>>) src(%dma_wait3A_306 : memref<16x1024xf32, #tpu.memory_space<vmem_shared>>) dst(%dma_wait3A_302 : memref<16x1024xf32, #tpu.memory_space<hbm>>)
    %dma_wait3A_307 = arith.constant 2 : i32
    %dma_wait3A_308 = arith.constant 0 : i32
    %dma_wait3A_309 = tpu.memref_slice %arg4[%mul3A_2, %dma_wait3A_308] : memref<32768x1024xf32, #tpu.memory_space<hbm>> -> memref<16x1024xf32, #tpu.memory_space<hbm>>
    %dma_wait3A_310 = arith.constant 0 : i32
    %dma_wait3A_311 = arith.constant 0 : i32
    %dma_wait3A_312 = tpu.memref_slice %arg9[%arg1, %dma_wait3A_307, %dma_wait3A_310, %dma_wait3A_311] : memref<16x3x16x1024xf32, #tpu.memory_space<vmem_shared>> -> memref<1x1x16x1024xf32, #tpu.memory_space<vmem_shared>>
    %dma_wait3A_313 = tpu.memref_squeeze %dma_wait3A_312 : memref<1x1x16x1024xf32, #tpu.memory_space<vmem_shared>> -> memref<16x1024xf32, #tpu.memory_space<vmem_shared>>
    tpu.wait_dma2 semaphore(%arg18 : memref<!tpu.dma_semaphore, #tpu.memory_space<semaphore_mem>>) src(%dma_wait3A_313 : memref<16x1024xf32, #tpu.memory_space<vmem_shared>>) dst(%dma_wait3A_309 : memref<16x1024xf32, #tpu.memory_space<hbm>>)
    return
  }
}

</mosaic_0001>

<sc_bundles>
// kernel: kernel.3.cloned.1.call-start
scs
__scs_entry_jumppad:
0x0: {  	(pc) =	sbr.rel $0x88, $3  }
0x1: {  	(tag) =	ssettag $0x0;
	lr =	simm.s32 $0x1  }
0x2: {  	[smem:$0x3F9F] =	sst lr;
	_ =	strace $0xD0000000  }
0x3: {  	_ = 	snop  }
0x4: {  	_ = 	snop  }
0x5: {  	_ = 	snop  }
0x6: {  	_ = 	snop  }
0x7: {  	_ = 	snop  }
__scs_overlays_trampoline_lowered:
0x8: {  	[smem:$0x3FAE] =	sst s0  }
0x9: {  	[smem:$0x3FAF] =	sst s1  }
0xa: {  	[smem:$0x3FB0] =	sst s2  }
0xb: {  	[smem:$0x3FB1] =	sst s3  }
0xc: {  	[smem:$0x3FB2] =	sst s4  }
0xd: {  	[smem:$0x3FB3] =	sst s5  }
0xe: {  	[smem:$0x3FB4] =	sst s6  }
0xf: {  	[smem:$0x3FB5] =	sst s7  }
0x10: {  	[smem:$0x3FB6] =	sst s8  }
0x11: {  	[smem:$0x3FB7] =	sst s9;
	s0 =	simm.s32 @!p0 $0x0  }
0x12: {  	s1 =	sld [smem:$0x3F9D];
	s0 =	simm.s32 @p0 $0x1  }
0x13: {  	[smem:$0x3FB8] =	sst s0;
	s0 =	simm.s32 @!p1 $0x0  }
0x14: {  	s2 =	sld [smem:$0x3F9C];
	s0 =	simm.s32 @p1 $0x1  }
0x15: {  	[smem:$0x3FB9] =	sst s0;
	s0 =	simm.s32 @!p2 $0x0  }
0x16: {  	s3 =	sld [smem:$0x3FDB];
	s0 =	simm.s32 @p2 $0x1  }
0x17: {  	s4 =	simm.s32 $0x1BF5;
	[smem:$0x3FBB] =	sst s0  }
0x18: {  	s0 =	sld [smem:$0x3F9E];
	_ =	swait.ge [sflag:s4], $0x0  }
0x19: {  	s7 =	sld [smem:$0x3F9F]  }
0x1a: {  	s8 =	sadd.s32 $0xFFFFE003, lr  }
0x1b: {  	s9 =	sadd.s32 $0xFFFFFEF7, lr;
	s5 =	simm.s32 $0xFFFFFFFF;
	p2 =	slt.u32 s8, $0xFFFFF086  }
0x1c: {  	p1 =	slt.u32 s9, $0xF7A;
	s5 =	simm.s32 @!p2 $0x0  }
0x1d: {  	s5 =	simm.s32 @p1 $0x1;
	p0 =	seq.s32 s7, s2  }
0x1e: {  	s7 =	smul.u32 @!p0 $0xF7A, s2;
	p2 =	seq.s32 @!p0 s5, $0x0  }
0x1f: {  	s9 =	smul.u32 $0xF7A, s1;
	s8 =	simm.s32 @!p0 $0x1BF5;
	p2 =	por !p2, p0  }
0x20: {  	[sflag:s8] =	ssyncset.s32 @!p0 $0xFFFFF086;
	s6 =	sadd.s32 @!p0 s3, s7;
	s7 =	simm.s32 @!p0 $0x108  }
0x21: {  	s3 =	sadd.s32 s3, s9;
	s6 =	sadd.s32 @!p0 $0x88, s6;
	s7 =	simm.s32 @p2 $0x1082  }
0x22: {  	[simem:s7], [sflag:s8] =	dma.local @!p0 [hbm:s6], $0xF7A  }
0x23: {  	s9 =	sor.u32 $0xD0000000, s2;
	s6 =	simm.s32 $0x108;
	_ =	swait.ge @!p0 [sflag:s8], $0x0  }
0x24: {  	s3 =	sadd.s32 $0x88, s3;
	s6 =	simm.s32 @!p1 $0x1082;
	[sflag:s4] =	ssyncset.s32 $0xFFFFF086  }
0x25: {  	[simem:s6], [sflag:s4] =	dma.local [hbm:s3], $0xF7A  }
0x26: {  	[smem:$0x3F9F] =	sst s1;
	(tag) =	ssettag s2;
	_ =	strace s9  }
0x27: {  	s1 =	sld [smem:$0x3FAF]  }
0x28: {  	s2 =	sld [smem:$0x3FB0]  }
0x29: {  	s4 =	sld [smem:$0x3FB2]  }
0x2a: {  	p0 =	seq.s32 s5, $0x0;
	s5 =	sld [smem:$0x3FB3]  }
0x2b: {  	s6 =	sld [smem:$0x3FB4]  }
0x2c: {  	s7 =	sld [smem:$0x3FB5]  }
0x2d: {  	s3 =	simm.s32 $0x108;
	s8 =	sld [smem:$0x3FB6]  }
0x2e: {  	s3 =	simm.s32 @!p0 $0x1082;
	s9 =	sld [smem:$0x3FB7]  }
0x2f: {  	lr =	sadd.s32 s0, s3;
	s0 =	sld [smem:$0x3FAE]  }
0x30: {  	s3 =	sld [smem:$0x3FB1]  }
0x31: {  	[smem:$0x3FBA] =	sst s10  }
0x32: {  	s10 =	sld [smem:$0x3FB8];
	_ =	sdelay $0x3  }
0x33: {  	p0 =	seq.s32 s10, $0x1;
	s10 =	sld [smem:$0x3FBA];
	_ =	sdelay $0x3  }
0x34: {  	[smem:$0x3FBA] =	sst s10  }
0x35: {  	s10 =	sld [smem:$0x3FB9];
	_ =	sdelay $0x3  }
0x36: {  	p1 =	seq.s32 s10, $0x1;
	s10 =	sld [smem:$0x3FBA];
	_ =	sdelay $0x3  }
0x37: {  	[smem:$0x3FBA] =	sst s10  }
0x38: {  	s10 =	sld [smem:$0x3FBB]  }
0x39: {  	_ = 	snop;
	(pc) =	sbr.ind lr, $3  }
0x3a: {  	_ = 	snop  }
0x3b: {  	_ = 	snop  }
0x3c: {  	p2 =	seq.s32 s10, $0x1;
	s10 =	sld [smem:$0x3FBA]  }
0x3d: {  	_ =	shalt  }
0x3e: {  	_ =	shalt  }
0x3f: {  	_ =	shalt  }
0x40: {  	_ =	shalt  }
0x41: {  	_ =	shalt  }
0x42: {  	_ =	shalt  }
0x43: {  	_ =	shalt  }
0x44: {  	_ =	shalt  }
0x45: {  	_ =	shalt  }
0x46: {  	_ =	shalt  }
0x47: {  	_ =	shalt  }
0x48: {  	_ =	shalt  }
0x49: {  	_ =	shalt  }
0x4a: {  	_ =	shalt  }
0x4b: {  	_ =	shalt  }
0x4c: {  	_ =	shalt  }
0x4d: {  	_ =	shalt  }
0x4e: {  	_ =	shalt  }
0x4f: {  	_ =	shalt  }
0x50: {  	_ =	shalt  }
0x51: {  	_ =	shalt  }
0x52: {  	_ =	shalt  }
0x53: {  	_ =	shalt  }
0x54: {  	_ =	shalt  }
0x55: {  	_ =	shalt  }
0x56: {  	_ =	shalt  }
0x57: {  	_ =	shalt  }
0x58: {  	_ =	shalt  }
0x59: {  	_ =	shalt  }
0x5a: {  	_ =	shalt  }
0x5b: {  	_ =	shalt  }
0x5c: {  	_ =	shalt  }
0x5d: {  	_ =	shalt  }
0x5e: {  	_ =	shalt  }
0x5f: {  	_ =	shalt  }
0x60: {  	_ =	shalt  }
0x61: {  	_ =	shalt  }
0x62: {  	_ =	shalt  }
0x63: {  	_ =	shalt  }
0x64: {  	_ =	shalt  }
0x65: {  	_ =	shalt  }
0x66: {  	_ =	shalt  }
0x67: {  	_ =	shalt  }
0x68: {  	_ =	shalt  }
0x69: {  	_ =	shalt  }
0x6a: {  	_ =	shalt  }
0x6b: {  	_ =	shalt  }
0x6c: {  	_ =	shalt  }
0x6d: {  	_ =	shalt  }
0x6e: {  	_ =	shalt  }
0x6f: {  	_ =	shalt  }
0x70: {  	_ =	shalt  }
0x71: {  	_ =	shalt  }
0x72: {  	_ =	shalt  }
0x73: {  	_ =	shalt  }
0x74: {  	_ =	shalt  }
0x75: {  	_ =	shalt  }
0x76: {  	_ =	shalt  }
0x77: {  	_ =	shalt  }
0x78: {  	_ =	shalt  }
0x79: {  	_ =	shalt  }
0x7a: {  	_ =	shalt  }
0x7b: {  	_ =	shalt  }
0x7c: {  	_ =	shalt  }
0x7d: {  	_ =	shalt  }
0x7e: {  	_ =	shalt  }
0x7f: {  	_ =	shalt  }
0x80: {  	_ =	shalt  }
0x81: {  	_ =	shalt  }
0x82: {  	_ =	shalt  }
0x83: {  	_ =	shalt  }
0x84: {  	_ =	shalt  }
0x85: {  	_ =	shalt  }
0x86: {  	_ =	shalt  }
0x87: {  	_ =	shalt  }
.Lfunc_end0:
.L_simem_size_0:
called_computation_lowered:
.L_overlay_start_0:
0x88: {  	s2 =	sld [smem:$0x3FD9]  }
0x89: {  	s3 =	sld [smem:$0x3FFE];
	_ =	sdelay $0x1  }
0x8a: {  	s1 =	srdreg.scid  }
0x8b: {  	s0 =	sand.u32 $0x1, s1  }
0x8c: {  	s17 =	sshll.u32 s0, $0xA;
	s2 =	sadd.s32 s3, s2  }
0x8d: {  	s2 =	sadd.s32 s2, s17  }
0x8e: {  	[smem:$0x3FC6] =	sst s2  }
0x8f: {  	_ = 	snop  }
0x90: {  	s2 =	sld [smem:$0x3FC8]  }
0x91: {  	s18 =	sld [smem:$0x3FD0];
	(tm) =	ssettm $0x1  }
0x92: {  	s4 =	sld [smem:$0x3FFB];
	_ =	sdelay $0x3  }
0x93: {  	_ =	strace s4  }
0x94: {  	s4 =	sld [smem:$0x3FFC];
	_ =	sdelay $0x3  }
0x95: {  	_ =	strace s4  }
0x96: {  	s4 =	sld [smem:$0x3FFD];
	_ =	sdelay $0x3  }
0x97: {  	_ =	strace s4  }
0x98: {  	_ =	strace $0x8FFFFFFF  }
0x99: {  	s19 =	sld [smem:$0x3FDB];
	_ =	sdelay $0x1  }
0x9a: {  	s5 =	simm.s32 $_scs_section_size  }
0x9b: {  	s6 =	simm.s32 $_size__tile_overlayer_lowered;
	s7 =	simm.s32 $_tile_overlayer_lowered  }
0x9c: {  	s22 =	simm.s32 $0x1BFF;
	s21 =	sshll.u32 s7, $0x1;
	s4 =	sadd.s32 s5, s19  }
0x9d: {  	s8 =	simm.s32 $0x0;
	s20 =	sshll.u32 s6, $0x1;
	s6 =	sadd.s32 s21, s4  }
0x9e: {  	[timem:s8], [sflag:s22] =	dma.local [hbm:s6], s20  }
0x9f: {  	_ =	swait.ge [sflag:s22], s20  }
0xa0: {  	s5 =	ssub.s32 $0x0, s20;
	[sflag:s22] =	ssyncset.done $0x0  }
0xa1: {  	[sflag:s22] =	ssyncadd.s32 s5;
	_ =	sdelay $0x1  }
0xa2: {  	s23 =	simm.s32 $0x1B8B  }
0xa3: {  	_ =	swait.ge [sflag:s23], $0x1  }
0xa4: {  	[sflag:s23] =	ssyncset.done $0x0  }
0xa5: {  	s25 =	simm.s32 $0x1B8E;
	s24 =	sld [smem:$0x3FFE];
	[sflag:s23] =	ssyncadd.s32 $0xFFFFFFFF  }
0xa6: {  	s26 =	simm.s32 $execute0_lowered;
	[smem:$0x3FD2] =	sst s25  }
0xa7: {  	s6 =	sshll.u32 s26, $0x1;
	_ =	strace $0x80000046;
	[dreg:$0x1] =	wrdreg $0xFFFFFFFF  }
0xa8: {  	s28 =	simm.s32 $_size_execute0_lowered;
	s4 =	sadd.s32 s4, s6;
	[dreg:$0x0] =	wrdreg $0x0  }
0xa9: {  	s6 =	sshll.u32 s28, $0x1;
	[dreg:$0x2] =	wrdreg s4  }
0xaa: {  	[dreg:$0x3] =	wrdreg s6  }
0xab: {  	[dreg:$0x4] =	wrdreg $0xC0  }
0xac: {  	_ =	task [dreg:s8], $0x5FFFF  }
0xad: {  	[dreg:$0x1] =	wrdreg $0xFFFFFFFF  }
0xae: {  	[dreg:$0x0] =	wrdreg $0x60  }
0xaf: {  	[dreg:$0x2] =	wrdreg s2  }
0xb0: {  	[dreg:$0x3] =	wrdreg s24  }
0xb1: {  	[dreg:$0x4] =	wrdreg s18  }
0xb2: {  	[dreg:$0x5] =	wrdreg $0xC4000  }
0xb3: {  	[dreg:$0x6] =	wrdreg $0x9  }
0xb4: {  	_ =	task.clear_ibuf [dreg:s8], $0x7FFFF;
	_ =	strace $0x90000046  }
0xb5: {  	s29 =	simm.s32 $0x9;
	_ =	strace $0x80000048  }
0xb6: {  	_ =	swait.ge [sflag:s29], $0x1  }
0xb7: {  	[sflag:s29] =	ssyncadd.s32 $0xFFFFFFFF  }
0xb8: {  	_ =	strace $0x90000048  }
0xb9: {  	_ =	sfence  }
0xba: {  	s30 =	sld [smem:$0x0];
	_ =	sdelay $0x2  }
0xbb: {  	s31 =	sshll.u32 s1, $0xD;
	s1 =	sshrl.u32 s1, $0x2  }
0xbc: {  	s3 =	sand.u32 $0x4000, s31;
	s1 =	sadd.s32 s1, s30  }
0xbd: {  	s0 =	sor.u32 s3, s0;
	s1 =	sshll.u32 s1, $0x11  }
0xbe: {  	s0 =	sor.u32 s1, s0  }
0xbf: {  	s0 =	sadd.s32 $0x8F2B, s0  }
0xc0: {  	[sflag:s0] =	ssyncadd.remote.s32 $0x1  }
0xc1: {  	_ =	sfence.sel $0xFFFF  }
0xc2: {  	[dreg:$0x0] =	wrdreg $0xFFFFFFFF;
	(pc) =	sbr.abs _section_cstart, $3  }
0xc3: {  	[dreg:$0x1] =	wrdreg $0xFFFFFFFF  }
0xc4: {  	_ =	task.clear_ibuf [dreg:s8], $0x2FFFF;
	_ =	strace $0x9FFFFFFF  }
0xc5: {  	(tm) =	ssettm $0x7FFFFFFF  }
tec
execute0_lowered:
.L_overlay_start_1:
0x0: {  	(tag) =	ssettag $0x1  }
0x1: {  	s1 =	rddreg [dreg:$0x0]  }
0x2: {  	s0 =	rddreg [dreg:$0x1]  }
0x3: {  	s2 =	rddreg [dreg:$0x2]  }
0x4: {  	s4 =	rddreg [dreg:$0x3]  }
0x5: {  	s3 =	srdreg.scid;
	s13 =	stileid.u32;
	s30 =	simm.s32 $0x6400  }
0x6: {  	s31 =	simm.s32 $0x1;
	s9 =	sand.u32 $0x1, s3;
	s3 =	simm.s32 $0x0  }
0x7: {  	s5 =	sshll.u32 s13, $0xB;
	s10 =	smul.u32 $0x30000, s13;
	s25 =	sshll.u32 s13, $0x12  }
0x8: {  	s13 =	simm.s32 $0x4C00;
	s6 =	sshll.u32 s9, $0xA;
	[smem:$0x7FF] =	sst s3  }
0x9: {  	s14 =	ssub.s32 $0x2, s9;
	s8 =	sor.u32 s6, s5;
	s15 =	sshrl.u32 s10, $0x2  }
0xa: {  	s7 =	sshrl.u32 s14, $0x1;
	_ =	strace $0x80000047;
	s16 =	sadd.s32 s15, s4  }
0xb: {  	s6 =	sshrl.u32 s8, $0x3;
	s19 =	sadd.s32 $0x4000, s16;
	[dreg:$0x12] =	wrdreg s16  }
0xc: {  	s17 =	sshll.u32 s8, $0x7;
	s21 =	sadd.s32 $0x8000, s16;
	[dreg:$0x10] =	wrdreg s19  }
0xd: {  	s11 =	ssub.s32 s14, s7;
	s18 =	sadd.s32 s2, s17;
	[dreg:$0x11] =	wrdreg s21  }
0xe: {  	s0 =	sadd.s32 s6, s0;
	s29 =	smax.u32 s11, $0x1;
	[dreg:$0x7] =	wrdreg s18  }
0xf: {  	s28 =	sshll.u32 s9, $0x11;
	s0 =	sadd.s32 $0x400, s0;
	[dreg:$0xe] =	wrdreg s29  }
0x10: {  	s5 =	sadd.s32 $0x100, s1;
	s20 =	sadd.s32 $0x800, s18;
	[dreg:$0x6] =	wrdreg s0  }
0x11: {  	s8 =	sadd.s32 $0x300, s1;
	s22 =	sadd.s32 $0x1000, s18;
	[dreg:$0x8] =	wrdreg s20  }
0x12: {  	s15 =	simm.s32 $0x0;
	s23 =	sadd.s32 $0x1E000, s18;
	[dreg:$0x9] =	wrdreg s22  }
0x13: {  	s6 =	sadd.s32 $0x200, s1;
	s24 =	sadd.s32 $0x1E800, s18;
	[dreg:$0xa] =	wrdreg s23  }
0x14: {  	s16 =	simm.s32 $0x5400;
	s26 =	sadd.s32 $0x1F000, s18;
	[dreg:$0xb] =	wrdreg s24  }
0x15: {  	s11 =	simm.s32 $0x8;
	s4 =	sadd.s32 $0x1F800, s18;
	[dreg:$0xc] =	wrdreg s26  }
0x16: {  	s21 =	simm.s32 $0x2;
	s0 =	sadd.s32 s25, s2;
	[dreg:$0xd] =	wrdreg s4  }
0x17: {  	v2 =	vlaneseq.u32;
	s25 =	simm.s32 $0x5C00;
	s2 =	simm.s32 $0x5;
	s22 =	simm.s32 $0x3  }
0x18: {  	vm0 =	vmmov $0xffff;
	v1 =	vshrl.u32 v2, $0x3;
	s4 =	simm.s32 $0x6;
	s23 =	simm.s32 $0x7;
	s0 =	sadd.s32 s28, s0  }
0x19: {  	v0 =	vand.u32 $0x7, v2;
	v2 =	vor.u32 $0x8, v2;
	v1 =	vmul.u32 $0x8, v1;
	s24 =	simm.s32 $0x9;
	[dreg:$0x5] =	wrdreg s0;
	s0 =	simm.s32 $0x4  }
.LBB2_1:
0x1a: {  	[dreg:$0xf] =	wrdreg s15  }
0x1b: {  	s9 =	rddreg [dreg:$0x6];
	s12 =	simm.s32 $0xA  }
0x1c: {  	[tilespmem:s3], [sflag:$0xA] =	stream.linear.gather [hbm4b:s9+s3], $0x400, $0x38;
	[tilespmem:$0x18400] =	vst v63  }
0x1d: {  	_ =	swait.ge [sflag:s12], $0x400  }
0x1e: {  	[sflag:s12] =	ssyncset.done $0x0  }
0x1f: {  	[sflag:s12] =	ssyncadd.s32 $0xFFFFFC00  }
0x20: {  	v3 =	vld [tilespmem:$0x0];
	_ =	sdelay $0x4  }
0x21: {  	v4 =	vshll.u32 v3, $0x3  }
0x22: {  	v3 =	vand.u32 $0x7, v3;
	v4 =	vand.u32 $0xFFFFFFC0, v4  }
0x23: {  	v3 =	vor.u32 v3, v4  }
0x24: {  	v4 =	vperm.xlane v3, v0;
	_ =	sdelay $0x1  }
0x25: {  	v4 =	vadd.s32 v1, v4;
	_ =	sdelay $0x3  }
0x26: {  	s12 =	simm.s32 $0x400  }
0x27: {  	[tilespmem:s12], [sflag:$0x1] =	stream.indirect_vreg.gather [hbm4b:s1+s3], $0x80, v4, vm0, $0xb8;
	[tilespmem:$0x18400] =	vst v63  }
0x28: {  	s15 =	simm.s32 $0xC00;
	v3 =	vperm.xlane v3, v2  }
0x29: {  	[tilespmem:s15], [sflag:$0x1] =	stream.indirect_vreg.gather [hbm4b:s5+s3], $0x80, v4, vm0, $0xb8;
	[tilespmem:$0x18400] =	vst v63  }
0x2a: {  	s17 =	simm.s32 $0x1400;
	v3 =	vadd.s32 v1, v3  }
0x2b: {  	[tilespmem:s17], [sflag:$0x1] =	stream.indirect_vreg.gather [hbm4b:s6+s3], $0x80, v4, vm0, $0xb8;
	[tilespmem:$0x18400] =	vst v63  }
0x2c: {  	s18 =	simm.s32 $0x1C00  }
0x2d: {  	[tilespmem:s18], [sflag:$0x1] =	stream.indirect_vreg.gather [hbm4b:s8+s3], $0x80, v4, vm0, $0xb8;
	[tilespmem:$0x18400] =	vst v63  }
0x2e: {  	s19 =	simm.s32 $0x2400  }
0x2f: {  	[tilespmem:s19], [sflag:$0x1] =	stream.indirect_vreg.gather [hbm4b:s1+s3], $0x80, v3, vm0, $0xb8;
	[tilespmem:$0x18400] =	vst v63  }
0x30: {  	s26 =	simm.s32 $0x2C00  }
0x31: {  	[tilespmem:s26], [sflag:$0x1] =	stream.indirect_vreg.gather [hbm4b:s5+s3], $0x80, v3, vm0, $0xb8;
	[tilespmem:$0x18400] =	vst v63  }
0x32: {  	s28 =	simm.s32 $0x3400  }
0x33: {  	[tilespmem:s28], [sflag:$0x1] =	stream.indirect_vreg.gather [hbm4b:s6+s3], $0x80, v3, vm0, $0xb8;
	[tilespmem:$0x18400] =	vst v63  }
0x34: {  	s7 =	simm.s32 $0x3C00  }
0x35: {  	[tilespmem:s7], [sflag:$0x1] =	stream.indirect_vreg.gather [hbm4b:s8+s3], $0x80, v3, vm0, $0xb8;
	[tilespmem:$0x18400] =	vst v63  }
0x36: {  	v3 =	vld [tilespmem:$0x10];
	_ =	sdelay $0x4  }
0x37: {  	v59 =	vshll.u32 v3, $0x3  }
0x38: {  	v3 =	vand.u32 $0x7, v3;
	v4 =	vand.u32 $0xFFFFFFC0, v59  }
0x39: {  	v3 =	vor.u32 v3, v4  }
0x3a: {  	v4 =	vperm.xlane v3, v0;
	_ =	sdelay $0x1  }
0x3b: {  	v4 =	vadd.s32 v1, v4;
	_ =	sdelay $0x3  }
0x3c: {  	s10 =	simm.s32 $0x4400  }
0x3d: {  	[tilespmem:s10], [sflag:$0x2] =	stream.indirect_vreg.gather [hbm4b:s1+s3], $0x80, v4, vm0, $0xb8;
	[tilespmem:$0x18400] =	vst v63  }
0x3e: {  	v3 =	vperm.xlane v3, v2  }
0x3f: {  	[tilespmem:s13], [sflag:$0x2] =	stream.indirect_vreg.gather [hbm4b:s5+s3], $0x80, v4, vm0, $0xb8;
	[tilespmem:$0x18400] =	vst v63  }
0x40: {  	v3 =	vadd.s32 v1, v3  }
0x41: {  	[tilespmem:s16], [sflag:$0x2] =	stream.indirect_vreg.gather [hbm4b:s6+s3], $0x80, v4, vm0, $0xb8;
	[tilespmem:$0x18400] =	vst v63  }
0x42: {  	_ = 	snop  }
0x43: {  	[tilespmem:s25], [sflag:$0x2] =	stream.indirect_vreg.gather [hbm4b:s8+s3], $0x80, v4, vm0, $0xb8;
	[tilespmem:$0x18400] =	vst v63  }
0x44: {  	_ = 	snop  }
0x45: {  	[tilespmem:s30], [sflag:$0x2] =	stream.indirect_vreg.gather [hbm4b:s1+s3], $0x80, v3, vm0, $0xb8;
	[tilespmem:$0x18400] =	vst v63  }
0x46: {  	s13 =	simm.s32 $0x6C00  }
0x47: {  	[tilespmem:s13], [sflag:$0x2] =	stream.indirect_vreg.gather [hbm4b:s5+s3], $0x80, v3, vm0, $0xb8;
	[tilespmem:$0x18400] =	vst v63  }
0x48: {  	s14 =	simm.s32 $0x7400  }
0x49: {  	[tilespmem:s14], [sflag:$0x2] =	stream.indirect_vreg.gather [hbm4b:s6+s3], $0x80, v3, vm0, $0xb8;
	[tilespmem:$0x18400] =	vst v63  }
0x4a: {  	s16 =	simm.s32 $0x7C00  }
0x4b: {  	[tilespmem:s16], [sflag:$0x2] =	stream.indirect_vreg.gather [hbm4b:s8+s3], $0x80, v3, vm0, $0xb8;
	[tilespmem:$0x18400] =	vst v63  }
0x4c: {  	v3 =	vld [tilespmem:$0x20];
	_ =	sdelay $0x4  }
0x4d: {  	v60 =	vshll.u32 v3, $0x3  }
0x4e: {  	v3 =	vand.u32 $0x7, v3;
	v4 =	vand.u32 $0xFFFFFFC0, v60  }
0x4f: {  	v3 =	vor.u32 v3, v4  }
0x50: {  	v4 =	vperm.xlane v3, v0;
	_ =	sdelay $0x1  }
0x51: {  	v4 =	vadd.s32 v1, v4;
	_ =	sdelay $0x3  }
0x52: {  	s14 =	simm.s32 $0x8400  }
0x53: {  	[tilespmem:s14], [sflag:$0x3] =	stream.indirect_vreg.gather [hbm4b:s1+s3], $0x80, v4, vm0, $0xb8;
	[tilespmem:$0x18400] =	vst v63  }
0x54: {  	s20 =	simm.s32 $0x8C00;
	v3 =	vperm.xlane v3, v2  }
0x55: {  	[tilespmem:s20], [sflag:$0x3] =	stream.indirect_vreg.gather [hbm4b:s5+s3], $0x80, v4, vm0, $0xb8;
	[tilespmem:$0x18400] =	vst v63  }
0x56: {  	s25 =	simm.s32 $0x9400;
	v3 =	vadd.s32 v1, v3  }
0x57: {  	[tilespmem:s25], [sflag:$0x3] =	stream.indirect_vreg.gather [hbm4b:s6+s3], $0x80, v4, vm0, $0xb8;
	[tilespmem:$0x18400] =	vst v63  }
0x58: {  	s30 =	simm.s32 $0x9C00  }
0x59: {  	[tilespmem:s30], [sflag:$0x3] =	stream.indirect_vreg.gather [hbm4b:s8+s3], $0x80, v4, vm0, $0xb8;
	[tilespmem:$0x18400] =	vst v63  }
0x5a: {  	s9 =	simm.s32 $0xA400  }
0x5b: {  	[tilespmem:s9], [sflag:$0x3] =	stream.indirect_vreg.gather [hbm4b:s1+s3], $0x80, v3, vm0, $0xb8;
	[tilespmem:$0x18400] =	vst v63  }
0x5c: {  	s13 =	simm.s32 $0xAC00  }
0x5d: {  	[tilespmem:s13], [sflag:$0x3] =	stream.indirect_vreg.gather [hbm4b:s5+s3], $0x80, v3, vm0, $0xb8;
	[tilespmem:$0x18400] =	vst v63  }
0x5e: {  	s16 =	simm.s32 $0xB400  }
0x5f: {  	[tilespmem:s16], [sflag:$0x3] =	stream.indirect_vreg.gather [hbm4b:s6+s3], $0x80, v3, vm0, $0xb8;
	[tilespmem:$0x18400] =	vst v63  }
0x60: {  	s20 =	simm.s32 $0xBC00  }
0x61: {  	[tilespmem:s20], [sflag:$0x3] =	stream.indirect_vreg.gather [hbm4b:s8+s3], $0x80, v3, vm0, $0xb8;
	[tilespmem:$0x18400] =	vst v63  }
0x62: {  	_ =	swait.ge [sflag:s31], $0x4000  }
0x63: {  	[sflag:s31] =	ssyncset.done $0x0  }
0x64: {  	s30 =	stileid.u32;
	s25 =	rddreg [dreg:$0x12];
	[sflag:s31] =	ssyncadd.s32 $0xFFFFC000  }
0x65: {  	[spmem:s25] =	stream.linear.scatter [tilespmem:s12], [sflag:$0x4], $0x4000, $0x38;
	[tilespmem:$0x18400] =	vst v63  }
0x66: {  	s16 =	sshll.u32 s30, $0x6;
	_ =	swait.ge [sflag:s0], $0x4000  }
0x67: {  	s13 =	sor.u32 $0x1C07, s16;
	[sflag:s0] =	ssyncset.done $0x0  }
0x68: {  	s25 =	sshrl.u32 s25, $0x3;
	s7 =	rddreg [dreg:$0x7];
	[sflag:s0] =	ssyncadd.s32 $0xFFFFC000  }
0x69: {  	[hbm:s7], [sflag:s13] =	dma.local [spmem:s25], $0x800  }
0x6a: {  	v3 =	vld [tilespmem:$0x30];
	_ =	sdelay $0x4  }
0x6b: {  	v61 =	vshll.u32 v3, $0x3  }
0x6c: {  	v3 =	vand.u32 $0x7, v3;
	v4 =	vand.u32 $0xFFFFFFC0, v61  }
0x6d: {  	v3 =	vor.u32 v3, v4  }
0x6e: {  	v4 =	vperm.xlane v3, v0;
	_ =	sdelay $0x1  }
0x6f: {  	v4 =	vadd.s32 v1, v4;
	_ =	sdelay $0x4  }
0x70: {  	[tilespmem:s12], [sflag:$0x1] =	stream.indirect_vreg.gather [hbm4b:s1+s3], $0x80, v4, vm0, $0xb8;
	[tilespmem:$0x18400] =	vst v63  }
0x71: {  	v3 =	vperm.xlane v3, v2  }
0x72: {  	[tilespmem:s15], [sflag:$0x1] =	stream.indirect_vreg.gather [hbm4b:s5+s3], $0x80, v4, vm0, $0xb8;
	[tilespmem:$0x18400] =	vst v63  }
0x73: {  	v3 =	vadd.s32 v1, v3  }
0x74: {  	[tilespmem:s17], [sflag:$0x1] =	stream.indirect_vreg.gather [hbm4b:s6+s3], $0x80, v4, vm0, $0xb8;
	[tilespmem:$0x18400] =	vst v63  }
0x75: {  	_ = 	snop  }
0x76: {  	[tilespmem:s18], [sflag:$0x1] =	stream.indirect_vreg.gather [hbm4b:s8+s3], $0x80, v4, vm0, $0xb8;
	[tilespmem:$0x18400] =	vst v63  }
0x77: {  	_ = 	snop  }
0x78: {  	[tilespmem:s19], [sflag:$0x1] =	stream.indirect_vreg.gather [hbm4b:s1+s3], $0x80, v3, vm0, $0xb8;
	[tilespmem:$0x18400] =	vst v63  }
0x79: {  	_ = 	snop  }
0x7a: {  	[tilespmem:s26], [sflag:$0x1] =	stream.indirect_vreg.gather [hbm4b:s5+s3], $0x80, v3, vm0, $0xb8;
	[tilespmem:$0x18400] =	vst v63  }
0x7b: {  	_ = 	snop  }
0x7c: {  	[tilespmem:s28], [sflag:$0x1] =	stream.indirect_vreg.gather [hbm4b:s6+s3], $0x80, v3, vm0, $0xb8;
	[tilespmem:$0x18400] =	vst v63  }
0x7d: {  	s12 =	simm.s32 $0x3C00  }
0x7e: {  	[tilespmem:s12], [sflag:$0x1] =	stream.indirect_vreg.gather [hbm4b:s8+s3], $0x80, v3, vm0, $0xb8;
	[tilespmem:$0x18400] =	vst v63  }
0x7f: {  	_ =	swait.ge [sflag:s21], $0x4000  }
0x80: {  	[sflag:s21] =	ssyncset.done $0x0  }
0x81: {  	s15 =	rddreg [dreg:$0x10];
	[sflag:s21] =	ssyncadd.s32 $0xFFFFC000  }
0x82: {  	[spmem:s15] =	stream.linear.scatter [tilespmem:s10], [sflag:$0x5], $0x4000, $0x38;
	[tilespmem:$0x18400] =	vst v63  }
0x83: {  	_ =	swait.ge [sflag:s2], $0x4000  }
0x84: {  	s26 =	sor.u32 $0x1C08, s16;
	[sflag:s2] =	ssyncset.done $0x0  }
0x85: {  	s15 =	sshrl.u32 s15, $0x3;
	s17 =	rddreg [dreg:$0x8];
	[sflag:s2] =	ssyncadd.s32 $0xFFFFC000  }
0x86: {  	[hbm:s17], [sflag:s26] =	dma.local [spmem:s15], $0x800  }
0x87: {  	v3 =	vld [tilespmem:$0x40];
	_ =	sdelay $0x4  }
0x88: {  	v62 =	vshll.u32 v3, $0x3  }
0x89: {  	v3 =	vand.u32 $0x7, v3;
	v4 =	vand.u32 $0xFFFFFFC0, v62  }
0x8a: {  	v3 =	vor.u32 v3, v4  }
0x8b: {  	v4 =	vperm.xlane v3, v0;
	_ =	sdelay $0x1  }
0x8c: {  	v4 =	vadd.s32 v1, v4;
	_ =	sdelay $0x4  }
0x8d: {  	[tilespmem:s10], [sflag:$0x2] =	stream.indirect_vreg.gather [hbm4b:s1+s3], $0x80, v4, vm0, $0xb8;
	[tilespmem:$0x18400] =	vst v63  }
0x8e: {  	s20 =	simm.s32 $0x4C00;
	v3 =	vperm.xlane v3, v2  }
0x8f: {  	[tilespmem:s20], [sflag:$0x2] =	stream.indirect_vreg.gather [hbm4b:s5+s3], $0x80, v4, vm0, $0xb8;
	[tilespmem:$0x18400] =	vst v63  }
0x90: {  	s18 =	simm.s32 $0x5400;
	v3 =	vadd.s32 v1, v3  }
0x91: {  	[tilespmem:s18], [sflag:$0x2] =	stream.indirect_vreg.gather [hbm4b:s6+s3], $0x80, v4, vm0, $0xb8;
	[tilespmem:$0x18400] =	vst v63  }
0x92: {  	s29 =	simm.s32 $0x5C00  }
0x93: {  	[tilespmem:s29], [sflag:$0x2] =	stream.indirect_vreg.gather [hbm4b:s8+s3], $0x80, v4, vm0, $0xb8;
	[tilespmem:$0x18400] =	vst v63  }
0x94: {  	s30 =	simm.s32 $0x6400  }
0x95: {  	[tilespmem:s30], [sflag:$0x2] =	stream.indirect_vreg.gather [hbm4b:s1+s3], $0x80, v3, vm0, $0xb8;
	[tilespmem:$0x18400] =	vst v63  }
0x96: {  	s19 =	simm.s32 $0x6C00  }
0x97: {  	[tilespmem:s19], [sflag:$0x2] =	stream.indirect_vreg.gather [hbm4b:s5+s3], $0x80, v3, vm0, $0xb8;
	[tilespmem:$0x18400] =	vst v63  }
0x98: {  	s20 =	simm.s32 $0x7400  }
0x99: {  	[tilespmem:s20], [sflag:$0x2] =	stream.indirect_vreg.gather [hbm4b:s6+s3], $0x80, v3, vm0, $0xb8;
	[tilespmem:$0x18400] =	vst v63  }
0x9a: {  	s30 =	simm.s32 $0x7C00  }
0x9b: {  	[tilespmem:s30], [sflag:$0x2] =	stream.indirect_vreg.gather [hbm4b:s8+s3], $0x80, v3, vm0, $0xb8;
	[tilespmem:$0x18400] =	vst v63  }
0x9c: {  	_ =	swait.ge [sflag:s22], $0x4000  }
0x9d: {  	[sflag:s22] =	ssyncset.done $0x0  }
0x9e: {  	s7 =	rddreg [dreg:$0x11];
	[sflag:s22] =	ssyncadd.s32 $0xFFFFC000  }
0x9f: {  	[spmem:s7] =	stream.linear.scatter [tilespmem:s14], [sflag:$0x6], $0x4000, $0x38;
	[tilespmem:$0x18400] =	vst v63  }
0xa0: {  	_ =	swait.ge [sflag:s4], $0x4000  }
0xa1: {  	s28 =	sor.u32 $0x1C09, s16;
	[sflag:s4] =	ssyncset.done $0x0  }
0xa2: {  	s16 =	sshrl.u32 s7, $0x3;
	s10 =	rddreg [dreg:$0x9];
	[sflag:s4] =	ssyncadd.s32 $0xFFFFC000  }
0xa3: {  	[hbm:s10], [sflag:s28] =	dma.local [spmem:s16], $0x800  }
0xa4: {  	v3 =	vld [tilespmem:$0x50];
	_ =	sdelay $0x4  }
0xa5: {  	v63 =	vshll.u32 v3, $0x3  }
0xa6: {  	v3 =	vand.u32 $0x7, v3;
	v4 =	vand.u32 $0xFFFFFFC0, v63  }
0xa7: {  	v3 =	vor.u32 v3, v4  }
0xa8: {  	v4 =	vperm.xlane v3, v0;
	_ =	sdelay $0x1  }
0xa9: {  	v4 =	vadd.s32 v1, v4;
	_ =	sdelay $0x4  }
0xaa: {  	[tilespmem:s14], [sflag:$0x3] =	stream.indirect_vreg.gather [hbm4b:s1+s3], $0x80, v4, vm0, $0xb8;
	[tilespmem:$0x18400] =	vst v63  }
0xab: {  	s12 =	simm.s32 $0x8C00;
	v3 =	vperm.xlane v3, v2  }
0xac: {  	[tilespmem:s12], [sflag:$0x3] =	stream.indirect_vreg.gather [hbm4b:s5+s3], $0x80, v4, vm0, $0xb8;
	[tilespmem:$0x18400] =	vst v63  }
0xad: {  	v3 =	vadd.s32 v1, v3;
	s14 =	simm.s32 $0x9400  }
0xae: {  	[tilespmem:s14], [sflag:$0x3] =	stream.indirect_vreg.gather [hbm4b:s6+s3], $0x80, v4, vm0, $0xb8;
	[tilespmem:$0x18400] =	vst v63  }
0xaf: {  	s17 =	simm.s32 $0x9C00  }
0xb0: {  	[tilespmem:s17], [sflag:$0x3] =	stream.indirect_vreg.gather [hbm4b:s8+s3], $0x80, v4, vm0, $0xb8;
	[tilespmem:$0x18400] =	vst v63  }
0xb1: {  	s18 =	simm.s32 $0xA400  }
0xb2: {  	[tilespmem:s18], [sflag:$0x3] =	stream.indirect_vreg.gather [hbm4b:s1+s3], $0x80, v3, vm0, $0xb8;
	[tilespmem:$0x18400] =	vst v63  }
0xb3: {  	s29 =	simm.s32 $0xB400;
	s19 =	simm.s32 $0xAC00;
	s20 =	simm.s32 $0xB400  }
0xb4: {  	[tilespmem:s19], [sflag:$0x3] =	stream.indirect_vreg.gather [hbm4b:s5+s3], $0x80, v3, vm0, $0xb8;
	[tilespmem:$0x18400] =	vst v63  }
0xb5: {  	s30 =	simm.s32 $0xBC00;
	s7 =	simm.s32 $0xAC00;
	s10 =	simm.s32 $0xBC00  }
0xb6: {  	[tilespmem:s20], [sflag:$0x3] =	stream.indirect_vreg.gather [hbm4b:s6+s3], $0x80, v3, vm0, $0xb8;
	[tilespmem:$0x18400] =	vst v63  }
0xb7: {  	s12 =	simm.s32 $0xA400;
	s17 =	simm.s32 $0x80;
	s18 =	simm.s32 $0x0  }
0xb8: {  	[tilespmem:s30], [sflag:$0x3] =	stream.indirect_vreg.gather [hbm4b:s8+s3], $0x80, v3, vm0, $0xb8;
	[tilespmem:$0x18400] =	vst v63  }
.LBB2_2:
0xb9: {  	_ =	swait.ge [sflag:s31], $0x4000  }
0xba: {  	[sflag:s31] =	ssyncset.done $0x0  }
0xbb: {  	[sflag:s31] =	ssyncadd.s32 $0xFFFFC000  }
0xbc: {  	_ =	swait.ge [sflag:s23], $0x800  }
0xbd: {  	[sflag:s23] =	ssyncset.done $0x0  }
0xbe: {  	s14 =	simm.s32 $0x400;
	s9 =	rddreg [dreg:$0x12];
	[sflag:s23] =	ssyncadd.s32 $0xFFFFF800  }
0xbf: {  	[spmem:s9] =	stream.linear.scatter [tilespmem:s14], [sflag:$0x4], $0x4000, $0x38;
	[tilespmem:$0x18400] =	vst v63  }
0xc0: {  	_ =	swait.ge [sflag:s0], $0x4000  }
0xc1: {  	s30 =	rddreg [dreg:$0x5]  }
0xc2: {  	[sflag:s0] =	ssyncset.done $0x0;
	s9 =	sadd.s32 s18, s30  }
0xc3: {  	[sflag:s0] =	ssyncadd.s32 $0xFFFFC000;
	s19 =	sadd.s32 $0x1800, s9  }
0xc4: {  	[hbm:s19], [sflag:s13] =	dma.local [spmem:s25], $0x800  }
0xc5: {  	v3 =	vld [tilespmem:s17+$0xFFFFFFE0];
	_ =	sdelay $0x4  }
0xc6: {  	v4 =	vshll.u32 v3, $0x3  }
0xc7: {  	v3 =	vand.u32 $0x7, v3;
	v4 =	vand.u32 $0xFFFFFFC0, v4  }
0xc8: {  	v3 =	vor.u32 v3, v4  }
0xc9: {  	v4 =	vperm.xlane v3, v0;
	_ =	sdelay $0x1  }
0xca: {  	v4 =	vadd.s32 v1, v4;
	_ =	sdelay $0x4  }
0xcb: {  	[tilespmem:s14], [sflag:$0x1] =	stream.indirect_vreg.gather [hbm4b:s1+s3], $0x80, v4, vm0, $0xb8;
	[tilespmem:$0x18400] =	vst v63  }
0xcc: {  	v3 =	vperm.xlane v3, v2;
	s14 =	simm.s32 $0xC00  }
0xcd: {  	[tilespmem:s14], [sflag:$0x1] =	stream.indirect_vreg.gather [hbm4b:s5+s3], $0x80, v4, vm0, $0xb8;
	[tilespmem:$0x18400] =	vst v63  }
0xce: {  	s20 =	simm.s32 $0x1400;
	v3 =	vadd.s32 v1, v3  }
0xcf: {  	[tilespmem:s20], [sflag:$0x1] =	stream.indirect_vreg.gather [hbm4b:s6+s3], $0x80, v4, vm0, $0xb8;
	[tilespmem:$0x18400] =	vst v63  }
0xd0: {  	s30 =	simm.s32 $0x1C00  }
0xd1: {  	[tilespmem:s30], [sflag:$0x1] =	stream.indirect_vreg.gather [hbm4b:s8+s3], $0x80, v4, vm0, $0xb8;
	[tilespmem:$0x18400] =	vst v63  }
0xd2: {  	s14 =	simm.s32 $0x2400  }
0xd3: {  	[tilespmem:s14], [sflag:$0x1] =	stream.indirect_vreg.gather [hbm4b:s1+s3], $0x80, v3, vm0, $0xb8;
	[tilespmem:$0x18400] =	vst v63  }
0xd4: {  	s20 =	simm.s32 $0x2C00  }
0xd5: {  	[tilespmem:s20], [sflag:$0x1] =	stream.indirect_vreg.gather [hbm4b:s5+s3], $0x80, v3, vm0, $0xb8;
	[tilespmem:$0x18400] =	vst v63  }
0xd6: {  	s30 =	simm.s32 $0x3400  }
0xd7: {  	[tilespmem:s30], [sflag:$0x1] =	stream.indirect_vreg.gather [hbm4b:s6+s3], $0x80, v3, vm0, $0xb8;
	[tilespmem:$0x18400] =	vst v63  }
0xd8: {  	s14 =	simm.s32 $0x3C00  }
0xd9: {  	[tilespmem:s14], [sflag:$0x1] =	stream.indirect_vreg.gather [hbm4b:s8+s3], $0x80, v3, vm0, $0xb8;
	[tilespmem:$0x18400] =	vst v63  }
0xda: {  	_ =	swait.ge [sflag:s21], $0x4000  }
0xdb: {  	[sflag:s21] =	ssyncset.done $0x0  }
0xdc: {  	[sflag:s21] =	ssyncadd.s32 $0xFFFFC000  }
0xdd: {  	_ =	swait.ge [sflag:s11], $0x800  }
0xde: {  	[sflag:s11] =	ssyncset.done $0x0  }
0xdf: {  	s30 =	simm.s32 $0x4400;
	s20 =	rddreg [dreg:$0x10];
	[sflag:s11] =	ssyncadd.s32 $0xFFFFF800  }
0xe0: {  	[spmem:s20] =	stream.linear.scatter [tilespmem:s30], [sflag:$0x5], $0x4000, $0x38;
	[tilespmem:$0x18400] =	vst v63  }
0xe1: {  	_ =	swait.ge [sflag:s2], $0x4000  }
0xe2: {  	[sflag:s2] =	ssyncset.done $0x0  }
0xe3: {  	s20 =	sadd.s32 $0x2000, s9;
	[sflag:s2] =	ssyncadd.s32 $0xFFFFC000  }
0xe4: {  	[hbm:s20], [sflag:s26] =	dma.local [spmem:s15], $0x800  }
0xe5: {  	v3 =	vld [tilespmem:s17+$0xFFFFFFF0];
	_ =	sdelay $0x4  }
0xe6: {  	v62 =	vshll.u32 v3, $0x3  }
0xe7: {  	v3 =	vand.u32 $0x7, v3;
	v4 =	vand.u32 $0xFFFFFFC0, v62  }
0xe8: {  	v3 =	vor.u32 v3, v4  }
0xe9: {  	v4 =	vperm.xlane v3, v0;
	_ =	sdelay $0x1  }
0xea: {  	v4 =	vadd.s32 v1, v4;
	_ =	sdelay $0x4  }
0xeb: {  	[tilespmem:s30], [sflag:$0x2] =	stream.indirect_vreg.gather [hbm4b:s1+s3], $0x80, v4, vm0, $0xb8;
	[tilespmem:$0x18400] =	vst v63  }
0xec: {  	v3 =	vperm.xlane v3, v2;
	s30 =	simm.s32 $0x4C00  }
0xed: {  	[tilespmem:s30], [sflag:$0x2] =	stream.indirect_vreg.gather [hbm4b:s5+s3], $0x80, v4, vm0, $0xb8;
	[tilespmem:$0x18400] =	vst v63  }
0xee: {  	s19 =	simm.s32 $0x5400;
	v3 =	vadd.s32 v1, v3  }
0xef: {  	[tilespmem:s19], [sflag:$0x2] =	stream.indirect_vreg.gather [hbm4b:s6+s3], $0x80, v4, vm0, $0xb8;
	[tilespmem:$0x18400] =	vst v63  }
0xf0: {  	s30 =	simm.s32 $0x5C00  }
0xf1: {  	[tilespmem:s30], [sflag:$0x2] =	stream.indirect_vreg.gather [hbm4b:s8+s3], $0x80, v4, vm0, $0xb8;
	[tilespmem:$0x18400] =	vst v63  }
0xf2: {  	s19 =	simm.s32 $0x6400  }
0xf3: {  	[tilespmem:s19], [sflag:$0x2] =	stream.indirect_vreg.gather [hbm4b:s1+s3], $0x80, v3, vm0, $0xb8;
	[tilespmem:$0x18400] =	vst v63  }
0xf4: {  	s30 =	simm.s32 $0x6C00  }
0xf5: {  	[tilespmem:s30], [sflag:$0x2] =	stream.indirect_vreg.gather [hbm4b:s5+s3], $0x80, v3, vm0, $0xb8;
	[tilespmem:$0x18400] =	vst v63  }
0xf6: {  	s19 =	simm.s32 $0x7400  }
0xf7: {  	[tilespmem:s19], [sflag:$0x2] =	stream.indirect_vreg.gather [hbm4b:s6+s3], $0x80, v3, vm0, $0xb8;
	[tilespmem:$0x18400] =	vst v63  }
0xf8: {  	s30 =	simm.s32 $0x7C00  }
0xf9: {  	[tilespmem:s30], [sflag:$0x2] =	stream.indirect_vreg.gather [hbm4b:s8+s3], $0x80, v3, vm0, $0xb8;
	[tilespmem:$0x18400] =	vst v63  }
0xfa: {  	_ =	swait.ge [sflag:s22], $0x4000  }
0xfb: {  	[sflag:s22] =	ssyncset.done $0x0  }
0xfc: {  	[sflag:s22] =	ssyncadd.s32 $0xFFFFC000  }
0xfd: {  	_ =	swait.ge [sflag:s24], $0x800  }
0xfe: {  	[sflag:s24] =	ssyncset.done $0x0  }
0xff: {  	s30 =	simm.s32 $0x8400;
	s14 =	rddreg [dreg:$0x11];
	[sflag:s24] =	ssyncadd.s32 $0xFFFFF800  }
0x100: {  	[spmem:s14] =	stream.linear.scatter [tilespmem:s30], [sflag:$0x6], $0x4000, $0x38;
	[tilespmem:$0x18400] =	vst v63  }
0x101: {  	_ =	swait.ge [sflag:s4], $0x4000  }
0x102: {  	[sflag:s4] =	ssyncset.done $0x0  }
0x103: {  	s9 =	sadd.s32 $0x2800, s9;
	[sflag:s4] =	ssyncadd.s32 $0xFFFFC000  }
0x104: {  	[hbm:s9], [sflag:s28] =	dma.local [spmem:s16], $0x800  }
0x105: {  	v3 =	vld [tilespmem:s17+$0x0];
	_ =	sdelay $0x4  }
0x106: {  	v63 =	vshll.u32 v3, $0x3  }
0x107: {  	v3 =	vand.u32 $0x7, v3;
	v4 =	vand.u32 $0xFFFFFFC0, v63  }
0x108: {  	v3 =	vor.u32 v3, v4  }
0x109: {  	v4 =	vperm.xlane v3, v0;
	_ =	sdelay $0x1  }
0x10a: {  	v4 =	vadd.s32 v1, v4;
	_ =	sdelay $0x4  }
0x10b: {  	[tilespmem:s30], [sflag:$0x3] =	stream.indirect_vreg.gather [hbm4b:s1+s3], $0x80, v4, vm0, $0xb8;
	[tilespmem:$0x18400] =	vst v63  }
0x10c: {  	v3 =	vperm.xlane v3, v2;
	s30 =	simm.s32 $0x8C00  }
0x10d: {  	[tilespmem:s30], [sflag:$0x3] =	stream.indirect_vreg.gather [hbm4b:s5+s3], $0x80, v4, vm0, $0xb8;
	[tilespmem:$0x18400] =	vst v63  }
0x10e: {  	s19 =	simm.s32 $0x9400;
	v3 =	vadd.s32 v1, v3  }
0x10f: {  	[tilespmem:s19], [sflag:$0x3] =	stream.indirect_vreg.gather [hbm4b:s6+s3], $0x80, v4, vm0, $0xb8;
	[tilespmem:$0x18400] =	vst v63  }
0x110: {  	s30 =	simm.s32 $0x9C00  }
0x111: {  	[tilespmem:s30], [sflag:$0x3] =	stream.indirect_vreg.gather [hbm4b:s8+s3], $0x80, v4, vm0, $0xb8;
	[tilespmem:$0x18400] =	vst v63  }
0x112: {  	_ = 	snop  }
0x113: {  	[tilespmem:s12], [sflag:$0x3] =	stream.indirect_vreg.gather [hbm4b:s1+s3], $0x80, v3, vm0, $0xb8;
	[tilespmem:$0x18400] =	vst v63  }
0x114: {  	p0 =	sne.s32 s18, $0x1B000  }
0x115: {  	[tilespmem:s7], [sflag:$0x3] =	stream.indirect_vreg.gather [hbm4b:s5+s3], $0x80, v3, vm0, $0xb8;
	[tilespmem:$0x18400] =	vst v63  }
.Ltmp0:
0x116: {  	_ = 	snop;
	(pc) =	sbr.rel @p0 .LBB2_2-.Ltmp0, $4  }
0x117: {  	s18 =	sadd.s32 $0x1800, s18  }
0x118: {  	[tilespmem:s29], [sflag:$0x3] =	stream.indirect_vreg.gather [hbm4b:s6+s3], $0x80, v3, vm0, $0xb8;
	[tilespmem:$0x18400] =	vst v63  }
0x119: {  	s20 =	simm.s32 $0x4400;
	s14 =	simm.s32 $0x8400;
	s17 =	sadd.s32 $0x30, s17  }
0x11a: {  	[tilespmem:s10], [sflag:$0x3] =	stream.indirect_vreg.gather [hbm4b:s8+s3], $0x80, v3, vm0, $0xb8;
	[tilespmem:$0x18400] =	vst v63  }
0x11b: {  	_ =	swait.ge [sflag:s31], $0x4000  }
0x11c: {  	[sflag:s31] =	ssyncset.done $0x0  }
0x11d: {  	[sflag:s31] =	ssyncadd.s32 $0xFFFFC000  }
0x11e: {  	_ =	swait.ge [sflag:s23], $0x800  }
0x11f: {  	[sflag:s23] =	ssyncset.done $0x0  }
0x120: {  	s10 =	simm.s32 $0x400;
	s7 =	rddreg [dreg:$0x12];
	[sflag:s23] =	ssyncadd.s32 $0xFFFFF800  }
0x121: {  	[spmem:s7] =	stream.linear.scatter [tilespmem:s10], [sflag:$0x4], $0x4000, $0x38;
	[tilespmem:$0x18400] =	vst v63  }
0x122: {  	_ =	swait.ge [sflag:s0], $0x4000  }
0x123: {  	[sflag:s0] =	ssyncset.done $0x0  }
0x124: {  	s9 =	rddreg [dreg:$0xa];
	[sflag:s0] =	ssyncadd.s32 $0xFFFFC000  }
0x125: {  	[hbm:s9], [sflag:s13] =	dma.local [spmem:s25], $0x800  }
0x126: {  	v3 =	vld [tilespmem:$0x3F0];
	_ =	sdelay $0x4  }
0x127: {  	v4 =	vshll.u32 v3, $0x3  }
0x128: {  	v3 =	vand.u32 $0x7, v3;
	v4 =	vand.u32 $0xFFFFFFC0, v4  }
0x129: {  	v3 =	vor.u32 v3, v4  }
0x12a: {  	v4 =	vperm.xlane v3, v0;
	_ =	sdelay $0x1  }
0x12b: {  	v4 =	vadd.s32 v1, v4;
	_ =	sdelay $0x4  }
0x12c: {  	[tilespmem:s10], [sflag:$0x1] =	stream.indirect_vreg.gather [hbm4b:s1+s3], $0x80, v4, vm0, $0xb8;
	[tilespmem:$0x18400] =	vst v63  }
0x12d: {  	s29 =	simm.s32 $0xC00;
	v3 =	vperm.xlane v3, v2  }
0x12e: {  	[tilespmem:s29], [sflag:$0x1] =	stream.indirect_vreg.gather [hbm4b:s5+s3], $0x80, v4, vm0, $0xb8;
	[tilespmem:$0x18400] =	vst v63  }
0x12f: {  	s12 =	simm.s32 $0x1400;
	v3 =	vadd.s32 v1, v3  }
0x130: {  	[tilespmem:s12], [sflag:$0x1] =	stream.indirect_vreg.gather [hbm4b:s6+s3], $0x80, v4, vm0, $0xb8;
	[tilespmem:$0x18400] =	vst v63  }
0x131: {  	s17 =	simm.s32 $0x1C00  }
0x132: {  	[tilespmem:s17], [sflag:$0x1] =	stream.indirect_vreg.gather [hbm4b:s8+s3], $0x80, v4, vm0, $0xb8;
	[tilespmem:$0x18400] =	vst v63  }
0x133: {  	s18 =	simm.s32 $0x2400  }
0x134: {  	[tilespmem:s18], [sflag:$0x1] =	stream.indirect_vreg.gather [hbm4b:s1+s3], $0x80, v3, vm0, $0xb8;
	[tilespmem:$0x18400] =	vst v63  }
0x135: {  	s19 =	simm.s32 $0x2C00  }
0x136: {  	[tilespmem:s19], [sflag:$0x1] =	stream.indirect_vreg.gather [hbm4b:s5+s3], $0x80, v3, vm0, $0xb8;
	[tilespmem:$0x18400] =	vst v63  }
0x137: {  	s29 =	simm.s32 $0x3400  }
0x138: {  	[tilespmem:s29], [sflag:$0x1] =	stream.indirect_vreg.gather [hbm4b:s6+s3], $0x80, v3, vm0, $0xb8;
	[tilespmem:$0x18400] =	vst v63  }
0x139: {  	s12 =	simm.s32 $0x3C00  }
0x13a: {  	[tilespmem:s12], [sflag:$0x1] =	stream.indirect_vreg.gather [hbm4b:s8+s3], $0x80, v3, vm0, $0xb8;
	[tilespmem:$0x18400] =	vst v63  }
0x13b: {  	_ =	swait.ge [sflag:s21], $0x4000  }
0x13c: {  	[sflag:s21] =	ssyncset.done $0x0  }
0x13d: {  	[sflag:s21] =	ssyncadd.s32 $0xFFFFC000  }
0x13e: {  	_ =	swait.ge [sflag:s11], $0x800  }
0x13f: {  	[sflag:s11] =	ssyncset.done $0x0  }
0x140: {  	s17 =	rddreg [dreg:$0x10];
	[sflag:s11] =	ssyncadd.s32 $0xFFFFF800  }
0x141: {  	[spmem:s17] =	stream.linear.scatter [tilespmem:s20], [sflag:$0x5], $0x4000, $0x38;
	[tilespmem:$0x18400] =	vst v63  }
0x142: {  	_ =	swait.ge [sflag:s2], $0x4000  }
0x143: {  	[sflag:s2] =	ssyncset.done $0x0  }
0x144: {  	s18 =	rddreg [dreg:$0xb];
	[sflag:s2] =	ssyncadd.s32 $0xFFFFC000  }
0x145: {  	[hbm:s18], [sflag:s26] =	dma.local [spmem:s15], $0x800  }
0x146: {  	_ =	swait.ge [sflag:s22], $0x4000  }
0x147: {  	[sflag:s22] =	ssyncset.done $0x0  }
0x148: {  	[sflag:s22] =	ssyncadd.s32 $0xFFFFC000  }
0x149: {  	_ =	swait.ge [sflag:s24], $0x800  }
0x14a: {  	[sflag:s24] =	ssyncset.done $0x0  }
0x14b: {  	s19 =	rddreg [dreg:$0x11];
	[sflag:s24] =	ssyncadd.s32 $0xFFFFF800  }
0x14c: {  	[spmem:s19] =	stream.linear.scatter [tilespmem:s14], [sflag:$0x6], $0x4000, $0x38;
	[tilespmem:$0x18400] =	vst v63  }
0x14d: {  	_ =	swait.ge [sflag:s4], $0x4000  }
0x14e: {  	[sflag:s4] =	ssyncset.done $0x0  }
0x14f: {  	s20 =	rddreg [dreg:$0xc];
	[sflag:s4] =	ssyncadd.s32 $0xFFFFC000  }
0x150: {  	[hbm:s20], [sflag:s28] =	dma.local [spmem:s16], $0x800  }
0x151: {  	_ =	swait.ge [sflag:s31], $0x4000  }
0x152: {  	[sflag:s31] =	ssyncset.done $0x0  }
0x153: {  	[sflag:s31] =	ssyncadd.s32 $0xFFFFC000  }
0x154: {  	_ =	swait.ge [sflag:s23], $0x800  }
0x155: {  	[sflag:s23] =	ssyncset.done $0x0  }
0x156: {  	[sflag:s23] =	ssyncadd.s32 $0xFFFFF800  }
0x157: {  	[spmem:s7] =	stream.linear.scatter [tilespmem:s10], [sflag:$0x4], $0x4000, $0x38;
	[tilespmem:$0x18400] =	vst v63  }
0x158: {  	_ =	swait.ge [sflag:s0], $0x4000  }
0x159: {  	[sflag:s0] =	ssyncset.done $0x0  }
0x15a: {  	s26 =	rddreg [dreg:$0xd];
	[sflag:s0] =	ssyncadd.s32 $0xFFFFC000  }
0x15b: {  	[hbm:s26], [sflag:s13] =	dma.local [spmem:s25], $0x800  }
0x15c: {  	_ =	swait.ge [sflag:s23], $0x800  }
0x15d: {  	[sflag:s23] =	ssyncset.done $0x0  }
0x15e: {  	[sflag:s23] =	ssyncadd.s32 $0xFFFFF800  }
0x15f: {  	_ =	swait.ge [sflag:s11], $0x800  }
0x160: {  	[sflag:s11] =	ssyncset.done $0x0  }
0x161: {  	[sflag:s11] =	ssyncadd.s32 $0xFFFFF800  }
0x162: {  	_ =	swait.ge [sflag:s24], $0x800  }
0x163: {  	s28 =	rddreg [dreg:$0xf]  }
0x164: {  	s29 =	rddreg [dreg:$0xe];
	s15 =	sadd.s32 $0x1, s28  }
0x165: {  	p0 =	sne.s32 s15, s29  }
.Ltmp1:
0x166: {  	_ = 	snop;
	(pc) =	sbr.rel @p0 .LBB2_1-.Ltmp1, $3  }
0x167: {  	_ =	sdelay $0x1  }
0x168: {  	s30 =	simm.s32 $0x6400;
	s16 =	simm.s32 $0x5400;
	[sflag:s24] =	ssyncset.done $0x0  }
0x169: {  	s13 =	simm.s32 $0x4C00;
	s25 =	simm.s32 $0x5C00;
	[sflag:s24] =	ssyncadd.s32 $0xFFFFF800  }
0x16a: {  	_ =	sfence.sel $0x180000  }
0x16b: {  	[bflag:$0x0] =	sbarrier.arrive $0xFFFF  }
0x16c: {  	_ =	strace $0x90000047  }
0x16d: {  	s0 =	stileid.u32;
	[bflag:$0x2] =	sbarrier.arrive $0xFFFF  }
0x16e: {  	p0 =	sne.s32 s0, $0x0;
	s0 =	rddreg [dreg:$0x4]  }
0x16f: {  	s0 =	sadd.s32 @!p0 $0x100000, s0  }
0x170: {  	[sflag:s0] =	ssyncadd.tile.s32 @!p0 $0x1;
	_ =	shalt  }
.Lfunc_end2:
_tile_overlayer_lowered:
.L_overlay_start_2:
0x171: {  	(tag) =	ssettag $0x2  }
0x172: {  	s0 =	rddreg [dreg:$0x0];
	s2 =	stileid.u32  }
0x173: {  	s1 =	rddreg [dreg:$0x1];
	p0 =	sne.s32 s2, $0x0  }
0x174: {  	s3 =	rddreg [dreg:$0x2];
	[bflag:$0x3] =	sbarrier.arrive $0xFFFF;
	s2 =	simm.s32 @!p0 $0x1C0A  }
0x175: {  	[timem:s3], [sflag:s2] =	dma.local @!p0 [hbm:s0], s1  }
0x176: {  	s0 =	simm.s32 @!p0 $0xA  }
0x177: {  	_ =	swait.ge @!p0 [sflag:s0], s1  }
0x178: {  	s1 =	ssub.s32 @!p0 $0x0, s1;
	[sflag:s0] =	ssyncset.done @!p0 $0x0  }
0x179: {  	[sflag:s0] =	ssyncadd.s32 @!p0 s1  }
0x17a: {  	[bflag:$0x3] =	sbarrier.arrive $0xFFFF  }
0x17b: {  	_ =	shalt  }

</sc_bundles>
